<compile_context>
chip_gen: v7x
topology: tpu7x:2x2x1
jax: 0.10.2.dev20260603
libtpu: 0.0.44.dev20260713+nightly
codegen_flags: <defaults>
</compile_context>

<pallas_src>
import functools

import jax
import jax.numpy as jnp
from jax import lax
from jax.experimental import pallas as pl
from jax.experimental.pallas import tpu as pltpu
from jax.experimental.pallas import tpu_sc as plsc

NC, NS = 2, 16
NW = NC * NS
WIN = 8192
WIN_B = 4096
ZWIN = 4096


def _build_kernels(B, C, H, W, P):
    HW = H * W
    N = B * HW
    M = N // NW
    NWIN = M // WIN
    TPF = HW // M
    P_pad = -(-P // (NS * ZWIN)) * (NS * ZWIN)
    ZB = P_pad // NS
    NV = ZB // ZWIN

    mesh = plsc.VectorSubcoreMesh(core_axis_name="c", subcore_axis_name="s")

    def run_batch(copies):
        descs = [pltpu.make_async_copy(s, d, sem) for s, d, sem, _ in copies]
        for desc, (_, _, _, add) in zip(descs, copies):
            desc.start(add=add)
        for desc in descs:
            desc.wait()

    @functools.partial(
        pl.kernel,
        out_type=jax.ShapeDtypeStruct((NC * C * P_pad,), jnp.float32),
        mesh=mesh,
        scratch_types=[
            pltpu.VMEM_SHARED((P_pad,), jnp.float32),
            pltpu.VMEM_SHARED((P_pad,), jnp.float32),
            pltpu.VMEM_SHARED((P_pad,), jnp.float32),
            pltpu.VMEM((ZWIN,), jnp.float32),
            pltpu.VMEM((WIN,), jnp.int32),
            pltpu.VMEM((WIN,), jnp.float32),
            pltpu.VMEM((WIN,), jnp.float32),
            pltpu.VMEM((WIN,), jnp.float32),
            pltpu.SemaphoreType.DMA,
            pltpu.SemaphoreType.DMA,
        ],
    )
    def scatter_kernel(idx_hbm, samp_hbm, part_hbm, t0, t1, t2, zbuf,
                       idx_buf, u0, u1, u2, in_sem, st_sem):
        core = lax.axis_index("c")
        sub = lax.axis_index("s")
        wid = core * NS + sub
        ts = (t0, t1, t2)
        us = (u0, u1, u2)

        @pl.loop(0, ZWIN // 16)
        def _zf(i):
            zbuf[pl.ds(i * 16, 16)] = jnp.zeros((16,), jnp.float32)

        @pl.loop(0, NV)
        def _zero(v):
            for t in ts:
                pltpu.sync_copy(zbuf, t.at[pl.ds(sub * ZB + v * ZWIN, ZWIN)])

        plsc.subcore_barrier()

        q0 = wid * M
        b = wid // TPF
        hw0 = (wid % TPF) * M

        @pl.loop(0, NWIN)
        def _scan(w):
            ioff = pl.multiple_of(q0 + w * WIN, 8)
            ins = [(idx_hbm.at[pl.ds(ioff, WIN)], idx_buf, in_sem, False)]
            for c, u in enumerate(us):
                soff = pl.multiple_of((b * C + c) * HW + hw0 + w * WIN, 8)
                ins.append((samp_hbm.at[pl.ds(soff, WIN)], u, in_sem,
                            False))
            run_batch(ins)
            run_batch([(u, t.at[idx_buf], st_sem, True)
                       for u, t in zip(us, ts)])

        plsc.subcore_barrier()

        dumps = []
        for c, t in enumerate(ts):
            off = sub * ZB
            poff = pl.multiple_of((core * C + c) * P_pad + off, 8)
            dumps.append((t.at[pl.ds(off, ZB)],
                          part_hbm.at[pl.ds(poff, ZB)], in_sem, False))
        run_batch(dumps)

    @functools.partial(
        pl.kernel,
        out_type=jax.ShapeDtypeStruct((N * C,), jnp.float32),
        mesh=mesh,
        scratch_types=[
            pltpu.VMEM_SHARED((P_pad,), jnp.float32),
            pltpu.VMEM_SHARED((P_pad,), jnp.float32),
            pltpu.VMEM_SHARED((P_pad,), jnp.float32),
            pltpu.VMEM((ZWIN,), jnp.float32),
            pltpu.VMEM((ZWIN,), jnp.float32),
            pltpu.VMEM((ZWIN,), jnp.float32),
            pltpu.VMEM((WIN_B,), jnp.int32),
            pltpu.VMEM((WIN_B,), jnp.float32),
            pltpu.VMEM((WIN_B,), jnp.float32),
            pltpu.VMEM((WIN_B,), jnp.float32),
            pltpu.SemaphoreType.DMA,
            pltpu.SemaphoreType.DMA,
        ],
    )
    def gather_kernel(part_hbm, cnt_hbm, idx_hbm, out_hbm, t0, t1, t2,
                      pa, pb, cb, idx_buf, g0, g1, g2, in_sem, g_sem):
        core = lax.axis_index("c")
        sub = lax.axis_index("s")
        wid = core * NS + sub
        ts = (t0, t1, t2)
        gbufs = (g0, g1, g2)

        for c, t in enumerate(ts):
            @pl.loop(0, NV)
            def _merge(v, c=c, t=t):
                off = sub * ZB + v * ZWIN
                p0 = pl.multiple_of(c * P_pad + off, 8)
                p1 = pl.multiple_of((C + c) * P_pad + off, 8)
                run_batch([
                    (part_hbm.at[pl.ds(p0, ZWIN)], pa, in_sem, False),
                    (part_hbm.at[pl.ds(p1, ZWIN)], pb, in_sem, False),
                    (cnt_hbm.at[pl.ds(off, ZWIN)], cb, in_sem, False),
                ])

                @pl.loop(0, ZWIN // 16)
                def _div(k):
                    s = pl.ds(k * 16, 16)
                    pa[s] = (pa[s] + pb[s]) / cb[s]

                pltpu.sync_copy(pa, t.at[pl.ds(off, ZWIN)])

        plsc.subcore_barrier()

        q0 = wid * M
        b = wid // TPF
        hw0 = (wid % TPF) * M

        @pl.loop(0, M // WIN_B)
        def _gather(w):
            ioff = pl.multiple_of(q0 + w * WIN_B, 8)
            pltpu.sync_copy(idx_hbm.at[pl.ds(ioff, WIN_B)], idx_buf)
            run_batch([(t.at[idx_buf], g, g_sem, False)
                       for t, g in zip(ts, gbufs)])
            outs = []
            for c, g in enumerate(gbufs):
                ooff = pl.multiple_of((b * C + c) * HW + hw0 + w * WIN_B, 8)
                outs.append((g, out_hbm.at[pl.ds(ooff, WIN_B)], in_sem,
                             False))
            run_batch(outs)

    return scatter_kernel, gather_kernel, P_pad


def kernel(samples, encoded_pixels, counts):
    B, C, H, W = samples.shape
    P = counts.shape[0]
    N = B * H * W

    scatter_kernel, gather_kernel, P_pad = _build_kernels(B, C, H, W, P)

    idx1d = encoded_pixels.reshape(N)
    samp1d = samples.reshape(N * C)
    cntf = counts.astype(jnp.float32).reshape(P)
    cntf = jnp.concatenate(
        [cntf, jnp.ones((P_pad - P,), jnp.float32)])

    partials = scatter_kernel(idx1d, samp1d)
    outflat = gather_kernel(partials, cntf, idx1d)
    return outflat.reshape(B, C, H, W)

# --- scband reference (transcript-rebuilt; emitter-appended) ---
"""Pipeline reference for scband-flow-coding-35167192219966 (READ-ONLY COPY).

The authoritative reference and input builder live on the scoring server;
editing this copy changes nothing except your own understanding.
"""

import jax, jax.numpy as jnp
import numpy as np

H, W, T = 512, 512, 7  # 7 flow maps -> 8 encoded frames


def _build_coding(rng):
    # Faithful numpy port of FlowCoding.__init__ (encoded_pixels is None branch,
    # backward_coding=False). Builds encoded_pixels [1, T+1, H, W] and counts.
    flows = rng.uniform(-20.0, 20.0, size=(T, H, W, 2)).astype(np.float32)
    occl = rng.random((T, H, W)) < 0.05
    meshgrid = np.stack(np.where(np.ones((H, W), dtype=bool))).T.reshape(H, W, 2)
    enc = np.arange(H * W, dtype=np.int64).reshape(H, W)
    encs = [enc]
    n_pixels = H * W
    for i in range(T):
        flow = flows[i]
        occ = occl[i]
        prev = enc
        enc = np.zeros_like(prev)
        unful = np.ones((H, W), dtype=bool)
        dest = np.round(flow + meshgrid).astype(np.int64)
        valid = ((dest >= 0) & (dest < np.array([H, W]))).all(-1)
        valid = valid & unful
        v_dest = dest[valid]
        v_grid = meshgrid[valid]
        enc[v_grid[:, 0], v_grid[:, 1]] = prev[v_dest[:, 0], v_dest[:, 1]]
        unful = unful & (~valid)
        unful = unful | occ
        novel = meshgrid[unful]
        enc[novel[:, 0], novel[:, 1]] = np.arange(len(novel), dtype=np.int64) + n_pixels
        n_pixels += len(novel)
        encs.append(enc)
    encoded = np.stack(encs)[None]  # [1, T+1, H, W]
    counts = np.bincount(encoded.ravel(), minlength=n_pixels).reshape(n_pixels, 1)
    return encoded, counts


def setup_inputs(seed: int = 0):
    rng = np.random.default_rng(0)
    encoded, counts = _build_coding(rng)
    key = jax.random.key(seed)
    samples = jax.random.normal(key, (T + 1, 3, H, W), dtype=jnp.float32)
    return {
        "samples": samples,
        "encoded_pixels": jnp.asarray(encoded, dtype=jnp.int32),
        "counts": jnp.asarray(counts, dtype=jnp.int64),
    }


def reference(samples, encoded_pixels, counts):
    # Faithful translation of FlowCoding.forward (accumulation kept in fp32).
    original_shape = samples.shape[-2:]
    shape = encoded_pixels.shape[-2:]
    B, C = samples.shape[0], samples.shape[1]
    s = jax.image.resize(samples, (B, C, shape[0], shape[1]), method="bilinear")
    s = jnp.transpose(s, (0, 2, 3, 1))  # [B, H, W, 3]
    n_pixels = counts.shape[0]
    values = jnp.zeros((n_pixels, 3), dtype=s.dtype)
    # index_put_((encoded_pixels,), samples, accumulate=True):
    # slot shape is encoded_pixels.shape + (3,) = [1, B, H, W, 3]
    upd = jnp.broadcast_to(s[None], encoded_pixels.shape + (3,))
    values = values.at[encoded_pixels].add(upd)
    countsf = counts.astype(values.dtype)
    pixels = jnp.where(counts > 0, values / countsf, values)
    mixed = pixels[encoded_pixels][0]  # [B, H, W, 3]
    mixed = jnp.transpose(mixed, (0, 3, 1, 2))
    mixed = jax.image.resize(
        mixed, (mixed.shape[0], mixed.shape[1], original_shape[0], original_shape[1]),
        method="bilinear")
    return mixed

if __name__ == "__main__":
    import jax
    _d = setup_inputs()
    print(jax.jit(kernel)(*tuple(_d.values())))

</pallas_src>

<mosaic_0001>
#map = affine_map<(d0, d1) -> (0)>
module attributes {stable_mosaic.version = 14 : i64} {
  func.func @scatter_kernel(%arg0: i32, %arg1: i32, %arg2: memref<2097152xi32, #tpu.memory_space<hbm>>, %arg3: memref<6291456xf32, #tpu.memory_space<hbm>>, %arg4: memref<2752512xf32, #tpu.memory_space<hbm>>, %arg5: memref<458752xf32, #tpu.memory_space<vmem_shared>>, %arg6: memref<458752xf32, #tpu.memory_space<vmem_shared>>, %arg7: memref<458752xf32, #tpu.memory_space<vmem_shared>>, %arg8: memref<4096xf32, #tpu.memory_space<vmem>>, %arg9: memref<8192xi32, #tpu.memory_space<vmem>>, %arg10: memref<8192xf32, #tpu.memory_space<vmem>>, %arg11: memref<8192xf32, #tpu.memory_space<vmem>>, %arg12: memref<8192xf32, #tpu.memory_space<vmem>>, %arg13: memref<!tpu.dma_semaphore, #tpu.memory_space<semaphore_mem>>, %arg14: memref<!tpu.dma_semaphore, #tpu.memory_space<semaphore_mem>>) attributes {dimension_semantics = [#tpu.dimension_semantics<core_parallel>, #tpu.dimension_semantics<subcore_parallel>], iteration_bounds = array<i64: 2, 16>, scalar_prefetch = 0 : i64, scratch_operands = 10 : i64, tpu.core_type = #tpu.core_type<sc_vector_subcore>, window_params = [{transform_indices = #map}, {transform_indices = #map}, {transform_indices = #map}]} {
    %mul3A = arith.constant 16 : i32
    %mul3A_0 = arith.muli %arg0, %mul3A : i32
    %add3A = arith.addi %mul3A_0, %arg1 : i32
    %scan3A = arith.constant 0 : i32
    %scan3A_1 = arith.constant 256 : i32
    %scan3A_2 = arith.addi %scan3A, %scan3A_1 : i32
    %scan3A_3 = arith.constant 1 : i32
    scf.for %scan3A_89 = %scan3A to %scan3A_2 step %scan3A_3  : i32 {
      %mul3A_90 = arith.constant 1 : i32
      %mul3A_91 = arith.muli %scan3A_89, %mul3A_90 : i32
      %add3A_92 = arith.constant 0 : i32
      %add3A_93 = arith.addi %add3A_92, %mul3A_91 : i32
      %broadcast_in_dim3A = arith.constant 0.000000e+00 : f32
      %broadcast_in_dim3A_94 = vector.broadcast %broadcast_in_dim3A : f32 to vector<16xf32>
      %mul3A_95 = arith.constant 16 : i32
      %mul3A_96 = arith.muli %add3A_93, %mul3A_95 : i32
      %swap3A = arith.index_cast %mul3A_96 : i32 to index
      %swap3A_97 = tpu.vector_load %arg8[%swap3A] {strides = array<i32>} : memref<4096xf32, #tpu.memory_space<vmem>>, vector<16xf32>,
      %swap3A_98 = vector.shape_cast %swap3A_97 : vector<16xf32> to vector<16xf32>
      %swap3A_99 = vector.shape_cast %broadcast_in_dim3A_94 : vector<16xf32> to vector<16xf32>
      tpu.vector_store %arg8[%swap3A], %swap3A_99 {strides = array<i32>} : memref<4096xf32, #tpu.memory_space<vmem>>, vector<16xf32>,
    }
    %scan3A_4 = arith.constant 256 : i32
    %scan3A_5 = arith.constant 0 : i32
    %scan3A_6 = arith.constant 7 : i32
    %scan3A_7 = arith.addi %scan3A_5, %scan3A_6 : i32
    %scan3A_8 = arith.constant 1 : i32
    scf.for %scan3A_89 = %scan3A_5 to %scan3A_7 step %scan3A_8  : i32 {
      %mul3A_90 = arith.constant 1 : i32
      %mul3A_91 = arith.muli %scan3A_89, %mul3A_90 : i32
      %add3A_92 = arith.constant 0 : i32
      %add3A_93 = arith.addi %add3A_92, %mul3A_91 : i32
      %mul3A_94 = arith.constant 28672 : i32
      %mul3A_95 = arith.muli %arg1, %mul3A_94 : i32
      %mul3A_96 = arith.constant 4096 : i32
      %mul3A_97 = arith.muli %add3A_93, %mul3A_96 : i32
      %add3A_98 = arith.addi %mul3A_95, %mul3A_97 : i32
      "tpu.region"() ({
        %run_scoped3A = tpu.sem_alloc : memref<!tpu.dma_semaphore, #tpu.memory_space<semaphore_mem>>
        %dma_start3A_109 = tpu.memref_slice %arg5[%add3A_98] : memref<458752xf32, #tpu.memory_space<vmem_shared>> -> memref<4096xf32, #tpu.memory_space<vmem_shared>>
        %dma_start3A_110 = tpu.memref_slice %arg5[%add3A_98] : memref<458752xf32, #tpu.memory_space<vmem_shared>> -> memref<4096xf32, #tpu.memory_space<vmem_shared>>
        tpu.enqueue_dma source(%arg8 : memref<4096xf32, #tpu.memory_space<vmem>>) target(%dma_start3A_110 : memref<4096xf32, #tpu.memory_space<vmem_shared>>) target_semaphore(%run_scoped3A : memref<!tpu.dma_semaphore, #tpu.memory_space<semaphore_mem>>)
        %dma_wait3A_111 = tpu.memref_slice %arg5[%add3A_98] : memref<458752xf32, #tpu.memory_space<vmem_shared>> -> memref<4096xf32, #tpu.memory_space<vmem_shared>>
        %dma_wait3A_112 = tpu.memref_slice %arg5[%add3A_98] : memref<458752xf32, #tpu.memory_space<vmem_shared>> -> memref<4096xf32, #tpu.memory_space<vmem_shared>>
        tpu.wait_dma2 semaphore(%run_scoped3A : memref<!tpu.dma_semaphore, #tpu.memory_space<semaphore_mem>>) src(%arg8 : memref<4096xf32, #tpu.memory_space<vmem>>) dst(%dma_wait3A_112 : memref<4096xf32, #tpu.memory_space<vmem_shared>>)
        tpu.yield
      }) : () -> ()
      %mul3A_99 = arith.constant 28672 : i32
      %mul3A_100 = arith.muli %arg1, %mul3A_99 : i32
      %mul3A_101 = arith.constant 4096 : i32
      %mul3A_102 = arith.muli %add3A_93, %mul3A_101 : i32
      %add3A_103 = arith.addi %mul3A_100, %mul3A_102 : i32
      "tpu.region"() ({
        %run_scoped3A = tpu.sem_alloc : memref<!tpu.dma_semaphore, #tpu.memory_space<semaphore_mem>>
        %dma_start3A_109 = tpu.memref_slice %arg6[%add3A_103] : memref<458752xf32, #tpu.memory_space<vmem_shared>> -> memref<4096xf32, #tpu.memory_space<vmem_shared>>
        %dma_start3A_110 = tpu.memref_slice %arg6[%add3A_103] : memref<458752xf32, #tpu.memory_space<vmem_shared>> -> memref<4096xf32, #tpu.memory_space<vmem_shared>>
        tpu.enqueue_dma source(%arg8 : memref<4096xf32, #tpu.memory_space<vmem>>) target(%dma_start3A_110 : memref<4096xf32, #tpu.memory_space<vmem_shared>>) target_semaphore(%run_scoped3A : memref<!tpu.dma_semaphore, #tpu.memory_space<semaphore_mem>>)
        %dma_wait3A_111 = tpu.memref_slice %arg6[%add3A_103] : memref<458752xf32, #tpu.memory_space<vmem_shared>> -> memref<4096xf32, #tpu.memory_space<vmem_shared>>
        %dma_wait3A_112 = tpu.memref_slice %arg6[%add3A_103] : memref<458752xf32, #tpu.memory_space<vmem_shared>> -> memref<4096xf32, #tpu.memory_space<vmem_shared>>
        tpu.wait_dma2 semaphore(%run_scoped3A : memref<!tpu.dma_semaphore, #tpu.memory_space<semaphore_mem>>) src(%arg8 : memref<4096xf32, #tpu.memory_space<vmem>>) dst(%dma_wait3A_112 : memref<4096xf32, #tpu.memory_space<vmem_shared>>)
        tpu.yield
      }) : () -> ()
      %mul3A_104 = arith.constant 28672 : i32
      %mul3A_105 = arith.muli %arg1, %mul3A_104 : i32
      %mul3A_106 = arith.constant 4096 : i32
      %mul3A_107 = arith.muli %add3A_93, %mul3A_106 : i32
      %add3A_108 = arith.addi %mul3A_105, %mul3A_107 : i32
      "tpu.region"() ({
        %run_scoped3A = tpu.sem_alloc : memref<!tpu.dma_semaphore, #tpu.memory_space<semaphore_mem>>
        %dma_start3A_109 = tpu.memref_slice %arg7[%add3A_108] : memref<458752xf32, #tpu.memory_space<vmem_shared>> -> memref<4096xf32, #tpu.memory_space<vmem_shared>>
        %dma_start3A_110 = tpu.memref_slice %arg7[%add3A_108] : memref<458752xf32, #tpu.memory_space<vmem_shared>> -> memref<4096xf32, #tpu.memory_space<vmem_shared>>
        tpu.enqueue_dma source(%arg8 : memref<4096xf32, #tpu.memory_space<vmem>>) target(%dma_start3A_110 : memref<4096xf32, #tpu.memory_space<vmem_shared>>) target_semaphore(%run_scoped3A : memref<!tpu.dma_semaphore, #tpu.memory_space<semaphore_mem>>)
        %dma_wait3A_111 = tpu.memref_slice %arg7[%add3A_108] : memref<458752xf32, #tpu.memory_space<vmem_shared>> -> memref<4096xf32, #tpu.memory_space<vmem_shared>>
        %dma_wait3A_112 = tpu.memref_slice %arg7[%add3A_108] : memref<458752xf32, #tpu.memory_space<vmem_shared>> -> memref<4096xf32, #tpu.memory_space<vmem_shared>>
        tpu.wait_dma2 semaphore(%run_scoped3A : memref<!tpu.dma_semaphore, #tpu.memory_space<semaphore_mem>>) src(%arg8 : memref<4096xf32, #tpu.memory_space<vmem>>) dst(%dma_wait3A_112 : memref<4096xf32, #tpu.memory_space<vmem_shared>>)
        tpu.yield
      }) : () -> ()
    }
    %scan3A_9 = arith.constant 7 : i32
    %barrier3A = arith.constant 0 : index
    tpu.barrier barrier_id(%barrier3A)
    %mul3A_10 = arith.constant 65536 : i32
    %mul3A_11 = arith.muli %add3A, %mul3A_10 : i32
    %jit3A = arith.constant 4 : i32
    %div3A = arith.divsi %add3A, %jit3A : i32
    %sign3A = arith.constant 0 : i32
    %sign3A_12 = arith.cmpi sgt, %add3A, %sign3A : i32
    %sign3A_13 = arith.extui %sign3A_12 : i1 to i32
    %sign3A_14 = arith.constant 0 : i32
    %sign3A_15 = arith.cmpi slt, %add3A, %sign3A_14 : i32
    %sign3A_16 = arith.extui %sign3A_15 : i1 to i32
    %sign3A_17 = arith.subi %sign3A_13, %sign3A_16 : i32
    %sign3A_18 = arith.constant 0 : i32
    %sign3A_19 = arith.cmpi sgt, %jit3A, %sign3A_18 : i32
    %sign3A_20 = arith.extui %sign3A_19 : i1 to i32
    %sign3A_21 = arith.constant 0 : i32
    %sign3A_22 = arith.cmpi slt, %jit3A, %sign3A_21 : i32
    %sign3A_23 = arith.extui %sign3A_22 : i1 to i32
    %sign3A_24 = arith.subi %sign3A_20, %sign3A_23 : i32
    %ne3A = arith.cmpi ne, %sign3A_17, %sign3A_24 : i32
    %rem3A = arith.remsi %add3A, %jit3A : i32
    %ne3A_25 = arith.constant 0 : i32
    %ne3A_26 = arith.cmpi ne, %rem3A, %ne3A_25 : i32
    %and3A = arith.andi %ne3A, %ne3A_26 : i1
    %sub3A = arith.constant 1 : i32
    %sub3A_27 = arith.subi %div3A, %sub3A : i32
    %select_n3A = arith.select %and3A, %sub3A_27, %div3A : i32
    %jit3A_28 = arith.constant 4 : i32
    %eq3A = arith.constant 0 : i32
    %eq3A_29 = arith.cmpi eq, %jit3A_28, %eq3A : i32
    %jit3A_30 = arith.constant 1 : i32
    %select_n3A_31 = arith.select %eq3A_29, %jit3A_30, %jit3A_28 : i32
    %rem3A_32 = arith.remsi %add3A, %select_n3A_31 : i32
    %ne3A_33 = arith.constant 0 : i32
    %ne3A_34 = arith.cmpi ne, %rem3A_32, %ne3A_33 : i32
    %lt3A = arith.constant 0 : i32
    %lt3A_35 = arith.cmpi slt, %rem3A_32, %lt3A : i32
    %lt3A_36 = arith.constant 0 : i32
    %lt3A_37 = arith.cmpi slt, %select_n3A_31, %lt3A_36 : i32
    %ne3A_38 = arith.xori %lt3A_35, %lt3A_37 : i1
    %and3A_39 = arith.andi %ne3A_38, %ne3A_34 : i1
    %add3A_40 = arith.addi %rem3A_32, %select_n3A_31 : i32
    %select_n3A_41 = arith.select %and3A_39, %add3A_40, %rem3A_32 : i32
    %mul3A_42 = arith.constant 65536 : i32
    %mul3A_43 = arith.muli %select_n3A_41, %mul3A_42 : i32
    %scan3A_44 = arith.constant 0 : i32
    %scan3A_45 = arith.constant 8 : i32
    %scan3A_46 = arith.addi %scan3A_44, %scan3A_45 : i32
    %scan3A_47 = arith.constant 1 : i32
    scf.for %scan3A_89 = %scan3A_44 to %scan3A_46 step %scan3A_47  : i32 {
      %mul3A_90 = arith.constant 1 : i32
      %mul3A_91 = arith.muli %scan3A_89, %mul3A_90 : i32
      %add3A_92 = arith.constant 0 : i32
      %add3A_93 = arith.addi %add3A_92, %mul3A_91 : i32
      %mul3A_94 = arith.constant 8192 : i32
      %mul3A_95 = arith.muli %add3A_93, %mul3A_94 : i32
      %add3A_96 = arith.addi %mul3A_11, %mul3A_95 : i32
      %multiple_of3A_97 = tpu.assume_multiple %add3A_96, 8 : i32
      %mul3A_98 = arith.constant 3 : i32
      %mul3A_99 = arith.muli %select_n3A, %mul3A_98 : i32
      %add3A_100 = arith.constant 0 : i32
      %add3A_101 = arith.addi %mul3A_99, %add3A_100 : i32
      %mul3A_102 = arith.constant 262144 : i32
      %mul3A_103 = arith.muli %add3A_101, %mul3A_102 : i32
      %add3A_104 = arith.addi %mul3A_103, %mul3A_43 : i32
      %mul3A_105 = arith.constant 8192 : i32
      %mul3A_106 = arith.muli %add3A_93, %mul3A_105 : i32
      %add3A_107 = arith.addi %add3A_104, %mul3A_106 : i32
      %multiple_of3A_108 = tpu.assume_multiple %add3A_107, 8 : i32
      %mul3A_109 = arith.constant 3 : i32
      %mul3A_110 = arith.muli %select_n3A, %mul3A_109 : i32
      %add3A_111 = arith.constant 1 : i32
      %add3A_112 = arith.addi %mul3A_110, %add3A_111 : i32
      %mul3A_113 = arith.constant 262144 : i32
      %mul3A_114 = arith.muli %add3A_112, %mul3A_113 : i32
      %add3A_115 = arith.addi %mul3A_114, %mul3A_43 : i32
      %mul3A_116 = arith.constant 8192 : i32
      %mul3A_117 = arith.muli %add3A_93, %mul3A_116 : i32
      %add3A_118 = arith.addi %add3A_115, %mul3A_117 : i32
      %multiple_of3A_119 = tpu.assume_multiple %add3A_118, 8 : i32
      %mul3A_120 = arith.constant 3 : i32
      %mul3A_121 = arith.muli %select_n3A, %mul3A_120 : i32
      %add3A_122 = arith.constant 2 : i32
      %add3A_123 = arith.addi %mul3A_121, %add3A_122 : i32
      %mul3A_124 = arith.constant 262144 : i32
      %mul3A_125 = arith.muli %add3A_123, %mul3A_124 : i32
      %add3A_126 = arith.addi %mul3A_125, %mul3A_43 : i32
      %mul3A_127 = arith.constant 8192 : i32
      %mul3A_128 = arith.muli %add3A_93, %mul3A_127 : i32
      %add3A_129 = arith.addi %add3A_126, %mul3A_128 : i32
      %multiple_of3A_130 = tpu.assume_multiple %add3A_129, 8 : i32
      %dma_start3A_131 = tpu.memref_slice %arg2[%multiple_of3A_97] : memref<2097152xi32, #tpu.memory_space<hbm>> -> memref<8192xi32, #tpu.memory_space<hbm>>
      %dma_start3A_132 = tpu.memref_slice %arg2[%multiple_of3A_97] : memref<2097152xi32, #tpu.memory_space<hbm>> -> memref<8192xi32, #tpu.memory_space<hbm>>
      tpu.enqueue_dma source(%dma_start3A_132 : memref<8192xi32, #tpu.memory_space<hbm>>) target(%arg9 : memref<8192xi32, #tpu.memory_space<vmem>>) target_semaphore(%arg13 : memref<!tpu.dma_semaphore, #tpu.memory_space<semaphore_mem>>)
      %dma_start3A_133 = tpu.memref_slice %arg3[%multiple_of3A_108] : memref<6291456xf32, #tpu.memory_space<hbm>> -> memref<8192xf32, #tpu.memory_space<hbm>>
      %dma_start3A_134 = tpu.memref_slice %arg3[%multiple_of3A_108] : memref<6291456xf32, #tpu.memory_space<hbm>> -> memref<8192xf32, #tpu.memory_space<hbm>>
      tpu.enqueue_dma source(%dma_start3A_134 : memref<8192xf32, #tpu.memory_space<hbm>>) target(%arg10 : memref<8192xf32, #tpu.memory_space<vmem>>) target_semaphore(%arg13 : memref<!tpu.dma_semaphore, #tpu.memory_space<semaphore_mem>>)
      %dma_start3A_135 = tpu.memref_slice %arg3[%multiple_of3A_119] : memref<6291456xf32, #tpu.memory_space<hbm>> -> memref<8192xf32, #tpu.memory_space<hbm>>
      %dma_start3A_136 = tpu.memref_slice %arg3[%multiple_of3A_119] : memref<6291456xf32, #tpu.memory_space<hbm>> -> memref<8192xf32, #tpu.memory_space<hbm>>
      tpu.enqueue_dma source(%dma_start3A_136 : memref<8192xf32, #tpu.memory_space<hbm>>) target(%arg11 : memref<8192xf32, #tpu.memory_space<vmem>>) target_semaphore(%arg13 : memref<!tpu.dma_semaphore, #tpu.memory_space<semaphore_mem>>)
      %dma_start3A_137 = tpu.memref_slice %arg3[%multiple_of3A_130] : memref<6291456xf32, #tpu.memory_space<hbm>> -> memref<8192xf32, #tpu.memory_space<hbm>>
      %dma_start3A_138 = tpu.memref_slice %arg3[%multiple_of3A_130] : memref<6291456xf32, #tpu.memory_space<hbm>> -> memref<8192xf32, #tpu.memory_space<hbm>>
      tpu.enqueue_dma source(%dma_start3A_138 : memref<8192xf32, #tpu.memory_space<hbm>>) target(%arg12 : memref<8192xf32, #tpu.memory_space<vmem>>) target_semaphore(%arg13 : memref<!tpu.dma_semaphore, #tpu.memory_space<semaphore_mem>>)
      %dma_wait3A_139 = tpu.memref_slice %arg2[%multiple_of3A_97] : memref<2097152xi32, #tpu.memory_space<hbm>> -> memref<8192xi32, #tpu.memory_space<hbm>>
      %dma_wait3A_140 = tpu.memref_slice %arg2[%multiple_of3A_97] : memref<2097152xi32, #tpu.memory_space<hbm>> -> memref<8192xi32, #tpu.memory_space<hbm>>
      tpu.wait_dma2 semaphore(%arg13 : memref<!tpu.dma_semaphore, #tpu.memory_space<semaphore_mem>>) src(%dma_wait3A_140 : memref<8192xi32, #tpu.memory_space<hbm>>) dst(%arg9 : memref<8192xi32, #tpu.memory_space<vmem>>)
      %dma_wait3A_141 = tpu.memref_slice %arg3[%multiple_of3A_108] : memref<6291456xf32, #tpu.memory_space<hbm>> -> memref<8192xf32, #tpu.memory_space<hbm>>
      %dma_wait3A_142 = tpu.memref_slice %arg3[%multiple_of3A_108] : memref<6291456xf32, #tpu.memory_space<hbm>> -> memref<8192xf32, #tpu.memory_space<hbm>>
      tpu.wait_dma2 semaphore(%arg13 : memref<!tpu.dma_semaphore, #tpu.memory_space<semaphore_mem>>) src(%dma_wait3A_142 : memref<8192xf32, #tpu.memory_space<hbm>>) dst(%arg10 : memref<8192xf32, #tpu.memory_space<vmem>>)
      %dma_wait3A_143 = tpu.memref_slice %arg3[%multiple_of3A_119] : memref<6291456xf32, #tpu.memory_space<hbm>> -> memref<8192xf32, #tpu.memory_space<hbm>>
      %dma_wait3A_144 = tpu.memref_slice %arg3[%multiple_of3A_119] : memref<6291456xf32, #tpu.memory_space<hbm>> -> memref<8192xf32, #tpu.memory_space<hbm>>
      tpu.wait_dma2 semaphore(%arg13 : memref<!tpu.dma_semaphore, #tpu.memory_space<semaphore_mem>>) src(%dma_wait3A_144 : memref<8192xf32, #tpu.memory_space<hbm>>) dst(%arg11 : memref<8192xf32, #tpu.memory_space<vmem>>)
      %dma_wait3A_145 = tpu.memref_slice %arg3[%multiple_of3A_130] : memref<6291456xf32, #tpu.memory_space<hbm>> -> memref<8192xf32, #tpu.memory_space<hbm>>
      %dma_wait3A_146 = tpu.memref_slice %arg3[%multiple_of3A_130] : memref<6291456xf32, #tpu.memory_space<hbm>> -> memref<8192xf32, #tpu.memory_space<hbm>>
      tpu.wait_dma2 semaphore(%arg13 : memref<!tpu.dma_semaphore, #tpu.memory_space<semaphore_mem>>) src(%dma_wait3A_146 : memref<8192xf32, #tpu.memory_space<hbm>>) dst(%arg12 : memref<8192xf32, #tpu.memory_space<vmem>>)
      %dma_start3A_147 = arith.constant 0 : i32
      %dma_start3A_148 = tpu.memref_slice %arg5[%dma_start3A_147] : memref<458752xf32, #tpu.memory_space<vmem_shared>> -> memref<458752xf32, #tpu.memory_space<vmem_shared>>
      tpu.enqueue_indirect_dma source(%arg10 : memref<8192xf32, #tpu.memory_space<vmem>>) target(%dma_start3A_148 : memref<458752xf32, #tpu.memory_space<vmem_shared>>) offsets(%arg9 : memref<8192xi32, #tpu.memory_space<vmem>>) semaphore(%arg14 : memref<!tpu.dma_semaphore, #tpu.memory_space<semaphore_mem>>) {add = true}
      %dma_start3A_149 = arith.constant 0 : i32
      %dma_start3A_150 = tpu.memref_slice %arg6[%dma_start3A_149] : memref<458752xf32, #tpu.memory_space<vmem_shared>> -> memref<458752xf32, #tpu.memory_space<vmem_shared>>
      tpu.enqueue_indirect_dma source(%arg11 : memref<8192xf32, #tpu.memory_space<vmem>>) target(%dma_start3A_150 : memref<458752xf32, #tpu.memory_space<vmem_shared>>) offsets(%arg9 : memref<8192xi32, #tpu.memory_space<vmem>>) semaphore(%arg14 : memref<!tpu.dma_semaphore, #tpu.memory_space<semaphore_mem>>) {add = true}
      %dma_start3A_151 = arith.constant 0 : i32
      %dma_start3A_152 = tpu.memref_slice %arg7[%dma_start3A_151] : memref<458752xf32, #tpu.memory_space<vmem_shared>> -> memref<458752xf32, #tpu.memory_space<vmem_shared>>
      tpu.enqueue_indirect_dma source(%arg12 : memref<8192xf32, #tpu.memory_space<vmem>>) target(%dma_start3A_152 : memref<458752xf32, #tpu.memory_space<vmem_shared>>) offsets(%arg9 : memref<8192xi32, #tpu.memory_space<vmem>>) semaphore(%arg14 : memref<!tpu.dma_semaphore, #tpu.memory_space<semaphore_mem>>) {add = true}
      %dma_wait3A_153 = arith.constant 0 : i32
      %dma_wait3A_154 = tpu.memref_slice %arg5[%dma_wait3A_153] : memref<458752xf32, #tpu.memory_space<vmem_shared>> -> memref<458752xf32, #tpu.memory_space<vmem_shared>>
      tpu.wait_indirect_dma semaphore(%arg14 : memref<!tpu.dma_semaphore, #tpu.memory_space<semaphore_mem>>) src(%arg10 : memref<8192xf32, #tpu.memory_space<vmem>>) dst(%dma_wait3A_154 : memref<458752xf32, #tpu.memory_space<vmem_shared>>)
      %dma_wait3A_155 = arith.constant 0 : i32
      %dma_wait3A_156 = tpu.memref_slice %arg6[%dma_wait3A_155] : memref<458752xf32, #tpu.memory_space<vmem_shared>> -> memref<458752xf32, #tpu.memory_space<vmem_shared>>
      tpu.wait_indirect_dma semaphore(%arg14 : memref<!tpu.dma_semaphore, #tpu.memory_space<semaphore_mem>>) src(%arg11 : memref<8192xf32, #tpu.memory_space<vmem>>) dst(%dma_wait3A_156 : memref<458752xf32, #tpu.memory_space<vmem_shared>>)
      %dma_wait3A_157 = arith.constant 0 : i32
      %dma_wait3A_158 = tpu.memref_slice %arg7[%dma_wait3A_157] : memref<458752xf32, #tpu.memory_space<vmem_shared>> -> memref<458752xf32, #tpu.memory_space<vmem_shared>>
      tpu.wait_indirect_dma semaphore(%arg14 : memref<!tpu.dma_semaphore, #tpu.memory_space<semaphore_mem>>) src(%arg12 : memref<8192xf32, #tpu.memory_space<vmem>>) dst(%dma_wait3A_158 : memref<458752xf32, #tpu.memory_space<vmem_shared>>)
    }
    %scan3A_48 = arith.constant 8 : i32
    %barrier3A_49 = arith.constant 0 : index
    tpu.barrier barrier_id(%barrier3A_49)
    %mul3A_50 = arith.constant 28672 : i32
    %mul3A_51 = arith.muli %arg1, %mul3A_50 : i32
    %mul3A_52 = arith.constant 3 : i32
    %mul3A_53 = arith.muli %arg0, %mul3A_52 : i32
    %add3A_54 = arith.constant 0 : i32
    %add3A_55 = arith.addi %mul3A_53, %add3A_54 : i32
    %mul3A_56 = arith.constant 458752 : i32
    %mul3A_57 = arith.muli %add3A_55, %mul3A_56 : i32
    %add3A_58 = arith.addi %mul3A_57, %mul3A_51 : i32
    %multiple_of3A = tpu.assume_multiple %add3A_58, 8 : i32
    %mul3A_59 = arith.constant 28672 : i32
    %mul3A_60 = arith.muli %arg1, %mul3A_59 : i32
    %mul3A_61 = arith.constant 3 : i32
    %mul3A_62 = arith.muli %arg0, %mul3A_61 : i32
    %add3A_63 = arith.constant 1 : i32
    %add3A_64 = arith.addi %mul3A_62, %add3A_63 : i32
    %mul3A_65 = arith.constant 458752 : i32
    %mul3A_66 = arith.muli %add3A_64, %mul3A_65 : i32
    %add3A_67 = arith.addi %mul3A_66, %mul3A_60 : i32
    %multiple_of3A_68 = tpu.assume_multiple %add3A_67, 8 : i32
    %mul3A_69 = arith.constant 28672 : i32
    %mul3A_70 = arith.muli %arg1, %mul3A_69 : i32
    %mul3A_71 = arith.constant 3 : i32
    %mul3A_72 = arith.muli %arg0, %mul3A_71 : i32
    %add3A_73 = arith.constant 2 : i32
    %add3A_74 = arith.addi %mul3A_72, %add3A_73 : i32
    %mul3A_75 = arith.constant 458752 : i32
    %mul3A_76 = arith.muli %add3A_74, %mul3A_75 : i32
    %add3A_77 = arith.addi %mul3A_76, %mul3A_70 : i32
    %multiple_of3A_78 = tpu.assume_multiple %add3A_77, 8 : i32
    %dma_start3A = tpu.memref_slice %arg4[%multiple_of3A] : memref<2752512xf32, #tpu.memory_space<hbm>> -> memref<28672xf32, #tpu.memory_space<hbm>>
    %dma_start3A_79 = tpu.memref_slice %arg5[%mul3A_51] : memref<458752xf32, #tpu.memory_space<vmem_shared>> -> memref<28672xf32, #tpu.memory_space<vmem_shared>>
    tpu.enqueue_dma source(%dma_start3A_79 : memref<28672xf32, #tpu.memory_space<vmem_shared>>) target(%dma_start3A : memref<28672xf32, #tpu.memory_space<hbm>>) target_semaphore(%arg13 : memref<!tpu.dma_semaphore, #tpu.memory_space<semaphore_mem>>)
    %dma_start3A_80 = tpu.memref_slice %arg4[%multiple_of3A_68] : memref<2752512xf32, #tpu.memory_space<hbm>> -> memref<28672xf32, #tpu.memory_space<hbm>>
    %dma_start3A_81 = tpu.memref_slice %arg6[%mul3A_60] : memref<458752xf32, #tpu.memory_space<vmem_shared>> -> memref<28672xf32, #tpu.memory_space<vmem_shared>>
    tpu.enqueue_dma source(%dma_start3A_81 : memref<28672xf32, #tpu.memory_space<vmem_shared>>) target(%dma_start3A_80 : memref<28672xf32, #tpu.memory_space<hbm>>) target_semaphore(%arg13 : memref<!tpu.dma_semaphore, #tpu.memory_space<semaphore_mem>>)
    %dma_start3A_82 = tpu.memref_slice %arg4[%multiple_of3A_78] : memref<2752512xf32, #tpu.memory_space<hbm>> -> memref<28672xf32, #tpu.memory_space<hbm>>
    %dma_start3A_83 = tpu.memref_slice %arg7[%mul3A_70] : memref<458752xf32, #tpu.memory_space<vmem_shared>> -> memref<28672xf32, #tpu.memory_space<vmem_shared>>
    tpu.enqueue_dma source(%dma_start3A_83 : memref<28672xf32, #tpu.memory_space<vmem_shared>>) target(%dma_start3A_82 : memref<28672xf32, #tpu.memory_space<hbm>>) target_semaphore(%arg13 : memref<!tpu.dma_semaphore, #tpu.memory_space<semaphore_mem>>)
    %dma_wait3A = tpu.memref_slice %arg4[%multiple_of3A] : memref<2752512xf32, #tpu.memory_space<hbm>> -> memref<28672xf32, #tpu.memory_space<hbm>>
    %dma_wait3A_84 = tpu.memref_slice %arg5[%mul3A_51] : memref<458752xf32, #tpu.memory_space<vmem_shared>> -> memref<28672xf32, #tpu.memory_space<vmem_shared>>
    tpu.wait_dma2 semaphore(%arg13 : memref<!tpu.dma_semaphore, #tpu.memory_space<semaphore_mem>>) src(%dma_wait3A_84 : memref<28672xf32, #tpu.memory_space<vmem_shared>>) dst(%dma_wait3A : memref<28672xf32, #tpu.memory_space<hbm>>)
    %dma_wait3A_85 = tpu.memref_slice %arg4[%multiple_of3A_68] : memref<2752512xf32, #tpu.memory_space<hbm>> -> memref<28672xf32, #tpu.memory_space<hbm>>
    %dma_wait3A_86 = tpu.memref_slice %arg6[%mul3A_60] : memref<458752xf32, #tpu.memory_space<vmem_shared>> -> memref<28672xf32, #tpu.memory_space<vmem_shared>>
    tpu.wait_dma2 semaphore(%arg13 : memref<!tpu.dma_semaphore, #tpu.memory_space<semaphore_mem>>) src(%dma_wait3A_86 : memref<28672xf32, #tpu.memory_space<vmem_shared>>) dst(%dma_wait3A_85 : memref<28672xf32, #tpu.memory_space<hbm>>)
    %dma_wait3A_87 = tpu.memref_slice %arg4[%multiple_of3A_78] : memref<2752512xf32, #tpu.memory_space<hbm>> -> memref<28672xf32, #tpu.memory_space<hbm>>
    %dma_wait3A_88 = tpu.memref_slice %arg7[%mul3A_70] : memref<458752xf32, #tpu.memory_space<vmem_shared>> -> memref<28672xf32, #tpu.memory_space<vmem_shared>>
    tpu.wait_dma2 semaphore(%arg13 : memref<!tpu.dma_semaphore, #tpu.memory_space<semaphore_mem>>) src(%dma_wait3A_88 : memref<28672xf32, #tpu.memory_space<vmem_shared>>) dst(%dma_wait3A_87 : memref<28672xf32, #tpu.memory_space<hbm>>)
    return
  }
}

#map = affine_map<(d0, d1) -> (0)>
module attributes {stable_mosaic.version = 14 : i64} {
  func.func @gather_kernel(%arg0: i32, %arg1: i32, %arg2: memref<2752512xf32, #tpu.memory_space<hbm>>, %arg3: memref<458752xf32, #tpu.memory_space<hbm>>, %arg4: memref<2097152xi32, #tpu.memory_space<hbm>>, %arg5: memref<6291456xf32, #tpu.memory_space<hbm>>, %arg6: memref<458752xf32, #tpu.memory_space<vmem_shared>>, %arg7: memref<458752xf32, #tpu.memory_space<vmem_shared>>, %arg8: memref<458752xf32, #tpu.memory_space<vmem_shared>>, %arg9: memref<4096xf32, #tpu.memory_space<vmem>>, %arg10: memref<4096xf32, #tpu.memory_space<vmem>>, %arg11: memref<4096xf32, #tpu.memory_space<vmem>>, %arg12: memref<4096xi32, #tpu.memory_space<vmem>>, %arg13: memref<4096xf32, #tpu.memory_space<vmem>>, %arg14: memref<4096xf32, #tpu.memory_space<vmem>>, %arg15: memref<4096xf32, #tpu.memory_space<vmem>>, %arg16: memref<!tpu.dma_semaphore, #tpu.memory_space<semaphore_mem>>, %arg17: memref<!tpu.dma_semaphore, #tpu.memory_space<semaphore_mem>>) attributes {dimension_semantics = [#tpu.dimension_semantics<core_parallel>, #tpu.dimension_semantics<subcore_parallel>], iteration_bounds = array<i64: 2, 16>, scalar_prefetch = 0 : i64, scratch_operands = 12 : i64, tpu.core_type = #tpu.core_type<sc_vector_subcore>, window_params = [{transform_indices = #map}, {transform_indices = #map}, {transform_indices = #map}, {transform_indices = #map}]} {
    %mul3A = arith.constant 16 : i32
    %mul3A_0 = arith.muli %arg0, %mul3A : i32
    %add3A = arith.addi %mul3A_0, %arg1 : i32
    %scan3A = arith.constant 0 : i32
    %scan3A_1 = arith.constant 7 : i32
    %scan3A_2 = arith.addi %scan3A, %scan3A_1 : i32
    %scan3A_3 = arith.constant 1 : i32
    scf.for %scan3A_54 = %scan3A to %scan3A_2 step %scan3A_3  : i32 {
      %mul3A_55 = arith.constant 1 : i32
      %mul3A_56 = arith.muli %scan3A_54, %mul3A_55 : i32
      %add3A_57 = arith.constant 0 : i32
      %add3A_58 = arith.addi %add3A_57, %mul3A_56 : i32
      %mul3A_59 = arith.constant 28672 : i32
      %mul3A_60 = arith.muli %arg1, %mul3A_59 : i32
      %mul3A_61 = arith.constant 4096 : i32
      %mul3A_62 = arith.muli %add3A_58, %mul3A_61 : i32
      %add3A_63 = arith.addi %mul3A_60, %mul3A_62 : i32
      %add3A_64 = arith.constant 0 : i32
      %add3A_65 = arith.addi %add3A_64, %add3A_63 : i32
      %multiple_of3A = tpu.assume_multiple %add3A_65, 8 : i32
      %add3A_66 = arith.constant 1376256 : i32
      %add3A_67 = arith.addi %add3A_66, %add3A_63 : i32
      %multiple_of3A_68 = tpu.assume_multiple %add3A_67, 8 : i32
      %dma_start3A = tpu.memref_slice %arg2[%multiple_of3A] : memref<2752512xf32, #tpu.memory_space<hbm>> -> memref<4096xf32, #tpu.memory_space<hbm>>
      %dma_start3A_69 = tpu.memref_slice %arg2[%multiple_of3A] : memref<2752512xf32, #tpu.memory_space<hbm>> -> memref<4096xf32, #tpu.memory_space<hbm>>
      tpu.enqueue_dma source(%dma_start3A_69 : memref<4096xf32, #tpu.memory_space<hbm>>) target(%arg9 : memref<4096xf32, #tpu.memory_space<vmem>>) target_semaphore(%arg16 : memref<!tpu.dma_semaphore, #tpu.memory_space<semaphore_mem>>)
      %dma_start3A_70 = tpu.memref_slice %arg2[%multiple_of3A_68] : memref<2752512xf32, #tpu.memory_space<hbm>> -> memref<4096xf32, #tpu.memory_space<hbm>>
      %dma_start3A_71 = tpu.memref_slice %arg2[%multiple_of3A_68] : memref<2752512xf32, #tpu.memory_space<hbm>> -> memref<4096xf32, #tpu.memory_space<hbm>>
      tpu.enqueue_dma source(%dma_start3A_71 : memref<4096xf32, #tpu.memory_space<hbm>>) target(%arg10 : memref<4096xf32, #tpu.memory_space<vmem>>) target_semaphore(%arg16 : memref<!tpu.dma_semaphore, #tpu.memory_space<semaphore_mem>>)
      %dma_start3A_72 = tpu.memref_slice %arg3[%add3A_63] : memref<458752xf32, #tpu.memory_space<hbm>> -> memref<4096xf32, #tpu.memory_space<hbm>>
      %dma_start3A_73 = tpu.memref_slice %arg3[%add3A_63] : memref<458752xf32, #tpu.memory_space<hbm>> -> memref<4096xf32, #tpu.memory_space<hbm>>
      tpu.enqueue_dma source(%dma_start3A_73 : memref<4096xf32, #tpu.memory_space<hbm>>) target(%arg11 : memref<4096xf32, #tpu.memory_space<vmem>>) target_semaphore(%arg16 : memref<!tpu.dma_semaphore, #tpu.memory_space<semaphore_mem>>)
      %dma_wait3A = tpu.memref_slice %arg2[%multiple_of3A] : memref<2752512xf32, #tpu.memory_space<hbm>> -> memref<4096xf32, #tpu.memory_space<hbm>>
      %dma_wait3A_74 = tpu.memref_slice %arg2[%multiple_of3A] : memref<2752512xf32, #tpu.memory_space<hbm>> -> memref<4096xf32, #tpu.memory_space<hbm>>
      tpu.wait_dma2 semaphore(%arg16 : memref<!tpu.dma_semaphore, #tpu.memory_space<semaphore_mem>>) src(%dma_wait3A_74 : memref<4096xf32, #tpu.memory_space<hbm>>) dst(%arg9 : memref<4096xf32, #tpu.memory_space<vmem>>)
      %dma_wait3A_75 = tpu.memref_slice %arg2[%multiple_of3A_68] : memref<2752512xf32, #tpu.memory_space<hbm>> -> memref<4096xf32, #tpu.memory_space<hbm>>
      %dma_wait3A_76 = tpu.memref_slice %arg2[%multiple_of3A_68] : memref<2752512xf32, #tpu.memory_space<hbm>> -> memref<4096xf32, #tpu.memory_space<hbm>>
      tpu.wait_dma2 semaphore(%arg16 : memref<!tpu.dma_semaphore, #tpu.memory_space<semaphore_mem>>) src(%dma_wait3A_76 : memref<4096xf32, #tpu.memory_space<hbm>>) dst(%arg10 : memref<4096xf32, #tpu.memory_space<vmem>>)
      %dma_wait3A_77 = tpu.memref_slice %arg3[%add3A_63] : memref<458752xf32, #tpu.memory_space<hbm>> -> memref<4096xf32, #tpu.memory_space<hbm>>
      %dma_wait3A_78 = tpu.memref_slice %arg3[%add3A_63] : memref<458752xf32, #tpu.memory_space<hbm>> -> memref<4096xf32, #tpu.memory_space<hbm>>
      tpu.wait_dma2 semaphore(%arg16 : memref<!tpu.dma_semaphore, #tpu.memory_space<semaphore_mem>>) src(%dma_wait3A_78 : memref<4096xf32, #tpu.memory_space<hbm>>) dst(%arg11 : memref<4096xf32, #tpu.memory_space<vmem>>)
      %scan3A_79 = arith.constant 0 : i32
      %scan3A_80 = arith.constant 256 : i32
      %scan3A_81 = arith.addi %scan3A_79, %scan3A_80 : i32
      %scan3A_82 = arith.constant 1 : i32
      scf.for %scan3A_84 = %scan3A_79 to %scan3A_81 step %scan3A_82  : i32 {
        %mul3A_85 = arith.constant 1 : i32
        %mul3A_86 = arith.muli %scan3A_84, %mul3A_85 : i32
        %add3A_87 = arith.constant 0 : i32
        %add3A_88 = arith.addi %add3A_87, %mul3A_86 : i32
        %mul3A_89 = arith.constant 16 : i32
        %mul3A_90 = arith.muli %add3A_88, %mul3A_89 : i32
        %get3A = arith.index_cast %mul3A_90 : i32 to index
        %get3A_91 = tpu.vector_load %arg9[%get3A] {strides = array<i32>} : memref<4096xf32, #tpu.memory_space<vmem>>, vector<16xf32>,
        %get3A_92 = vector.shape_cast %get3A_91 : vector<16xf32> to vector<16xf32>
        %get3A_93 = arith.index_cast %mul3A_90 : i32 to index
        %get3A_94 = tpu.vector_load %arg10[%get3A_93] {strides = array<i32>} : memref<4096xf32, #tpu.memory_space<vmem>>, vector<16xf32>,
        %get3A_95 = vector.shape_cast %get3A_94 : vector<16xf32> to vector<16xf32>
        %add3A_96 = arith.addf %get3A_92, %get3A_95 : vector<16xf32>
        %get3A_97 = arith.index_cast %mul3A_90 : i32 to index
        %get3A_98 = tpu.vector_load %arg11[%get3A_97] {strides = array<i32>} : memref<4096xf32, #tpu.memory_space<vmem>>, vector<16xf32>,
        %get3A_99 = vector.shape_cast %get3A_98 : vector<16xf32> to vector<16xf32>
        %div3A_100 = arith.divf %add3A_96, %get3A_99 : vector<16xf32>
        %swap3A = arith.index_cast %mul3A_90 : i32 to index
        %swap3A_101 = tpu.vector_load %arg9[%swap3A] {strides = array<i32>} : memref<4096xf32, #tpu.memory_space<vmem>>, vector<16xf32>,
        %swap3A_102 = vector.shape_cast %swap3A_101 : vector<16xf32> to vector<16xf32>
        %swap3A_103 = vector.shape_cast %div3A_100 : vector<16xf32> to vector<16xf32>
        tpu.vector_store %arg9[%swap3A], %swap3A_103 {strides = array<i32>} : memref<4096xf32, #tpu.memory_space<vmem>>, vector<16xf32>,
      }
      %scan3A_83 = arith.constant 256 : i32
      "tpu.region"() ({
        %run_scoped3A = tpu.sem_alloc : memref<!tpu.dma_semaphore, #tpu.memory_space<semaphore_mem>>
        %dma_start3A_84 = tpu.memref_slice %arg6[%add3A_63] : memref<458752xf32, #tpu.memory_space<vmem_shared>> -> memref<4096xf32, #tpu.memory_space<vmem_shared>>
        %dma_start3A_85 = tpu.memref_slice %arg6[%add3A_63] : memref<458752xf32, #tpu.memory_space<vmem_shared>> -> memref<4096xf32, #tpu.memory_space<vmem_shared>>
        tpu.enqueue_dma source(%arg9 : memref<4096xf32, #tpu.memory_space<vmem>>) target(%dma_start3A_85 : memref<4096xf32, #tpu.memory_space<vmem_shared>>) target_semaphore(%run_scoped3A : memref<!tpu.dma_semaphore, #tpu.memory_space<semaphore_mem>>)
        %dma_wait3A_86 = tpu.memref_slice %arg6[%add3A_63] : memref<458752xf32, #tpu.memory_space<vmem_shared>> -> memref<4096xf32, #tpu.memory_space<vmem_shared>>
        %dma_wait3A_87 = tpu.memref_slice %arg6[%add3A_63] : memref<458752xf32, #tpu.memory_space<vmem_shared>> -> memref<4096xf32, #tpu.memory_space<vmem_shared>>
        tpu.wait_dma2 semaphore(%run_scoped3A : memref<!tpu.dma_semaphore, #tpu.memory_space<semaphore_mem>>) src(%arg9 : memref<4096xf32, #tpu.memory_space<vmem>>) dst(%dma_wait3A_87 : memref<4096xf32, #tpu.memory_space<vmem_shared>>)
        tpu.yield
      }) : () -> ()
    }
    %scan3A_4 = arith.constant 7 : i32
    %scan3A_5 = arith.constant 0 : i32
    %scan3A_6 = arith.constant 7 : i32
    %scan3A_7 = arith.addi %scan3A_5, %scan3A_6 : i32
    %scan3A_8 = arith.constant 1 : i32
    scf.for %scan3A_54 = %scan3A_5 to %scan3A_7 step %scan3A_8  : i32 {
      %mul3A_55 = arith.constant 1 : i32
      %mul3A_56 = arith.muli %scan3A_54, %mul3A_55 : i32
      %add3A_57 = arith.constant 0 : i32
      %add3A_58 = arith.addi %add3A_57, %mul3A_56 : i32
      %mul3A_59 = arith.constant 28672 : i32
      %mul3A_60 = arith.muli %arg1, %mul3A_59 : i32
      %mul3A_61 = arith.constant 4096 : i32
      %mul3A_62 = arith.muli %add3A_58, %mul3A_61 : i32
      %add3A_63 = arith.addi %mul3A_60, %mul3A_62 : i32
      %add3A_64 = arith.constant 458752 : i32
      %add3A_65 = arith.addi %add3A_64, %add3A_63 : i32
      %multiple_of3A = tpu.assume_multiple %add3A_65, 8 : i32
      %add3A_66 = arith.constant 1835008 : i32
      %add3A_67 = arith.addi %add3A_66, %add3A_63 : i32
      %multiple_of3A_68 = tpu.assume_multiple %add3A_67, 8 : i32
      %dma_start3A = tpu.memref_slice %arg2[%multiple_of3A] : memref<2752512xf32, #tpu.memory_space<hbm>> -> memref<4096xf32, #tpu.memory_space<hbm>>
      %dma_start3A_69 = tpu.memref_slice %arg2[%multiple_of3A] : memref<2752512xf32, #tpu.memory_space<hbm>> -> memref<4096xf32, #tpu.memory_space<hbm>>
      tpu.enqueue_dma source(%dma_start3A_69 : memref<4096xf32, #tpu.memory_space<hbm>>) target(%arg9 : memref<4096xf32, #tpu.memory_space<vmem>>) target_semaphore(%arg16 : memref<!tpu.dma_semaphore, #tpu.memory_space<semaphore_mem>>)
      %dma_start3A_70 = tpu.memref_slice %arg2[%multiple_of3A_68] : memref<2752512xf32, #tpu.memory_space<hbm>> -> memref<4096xf32, #tpu.memory_space<hbm>>
      %dma_start3A_71 = tpu.memref_slice %arg2[%multiple_of3A_68] : memref<2752512xf32, #tpu.memory_space<hbm>> -> memref<4096xf32, #tpu.memory_space<hbm>>
      tpu.enqueue_dma source(%dma_start3A_71 : memref<4096xf32, #tpu.memory_space<hbm>>) target(%arg10 : memref<4096xf32, #tpu.memory_space<vmem>>) target_semaphore(%arg16 : memref<!tpu.dma_semaphore, #tpu.memory_space<semaphore_mem>>)
      %dma_start3A_72 = tpu.memref_slice %arg3[%add3A_63] : memref<458752xf32, #tpu.memory_space<hbm>> -> memref<4096xf32, #tpu.memory_space<hbm>>
      %dma_start3A_73 = tpu.memref_slice %arg3[%add3A_63] : memref<458752xf32, #tpu.memory_space<hbm>> -> memref<4096xf32, #tpu.memory_space<hbm>>
      tpu.enqueue_dma source(%dma_start3A_73 : memref<4096xf32, #tpu.memory_space<hbm>>) target(%arg11 : memref<4096xf32, #tpu.memory_space<vmem>>) target_semaphore(%arg16 : memref<!tpu.dma_semaphore, #tpu.memory_space<semaphore_mem>>)
      %dma_wait3A = tpu.memref_slice %arg2[%multiple_of3A] : memref<2752512xf32, #tpu.memory_space<hbm>> -> memref<4096xf32, #tpu.memory_space<hbm>>
      %dma_wait3A_74 = tpu.memref_slice %arg2[%multiple_of3A] : memref<2752512xf32, #tpu.memory_space<hbm>> -> memref<4096xf32, #tpu.memory_space<hbm>>
      tpu.wait_dma2 semaphore(%arg16 : memref<!tpu.dma_semaphore, #tpu.memory_space<semaphore_mem>>) src(%dma_wait3A_74 : memref<4096xf32, #tpu.memory_space<hbm>>) dst(%arg9 : memref<4096xf32, #tpu.memory_space<vmem>>)
      %dma_wait3A_75 = tpu.memref_slice %arg2[%multiple_of3A_68] : memref<2752512xf32, #tpu.memory_space<hbm>> -> memref<4096xf32, #tpu.memory_space<hbm>>
      %dma_wait3A_76 = tpu.memref_slice %arg2[%multiple_of3A_68] : memref<2752512xf32, #tpu.memory_space<hbm>> -> memref<4096xf32, #tpu.memory_space<hbm>>
      tpu.wait_dma2 semaphore(%arg16 : memref<!tpu.dma_semaphore, #tpu.memory_space<semaphore_mem>>) src(%dma_wait3A_76 : memref<4096xf32, #tpu.memory_space<hbm>>) dst(%arg10 : memref<4096xf32, #tpu.memory_space<vmem>>)
      %dma_wait3A_77 = tpu.memref_slice %arg3[%add3A_63] : memref<458752xf32, #tpu.memory_space<hbm>> -> memref<4096xf32, #tpu.memory_space<hbm>>
      %dma_wait3A_78 = tpu.memref_slice %arg3[%add3A_63] : memref<458752xf32, #tpu.memory_space<hbm>> -> memref<4096xf32, #tpu.memory_space<hbm>>
      tpu.wait_dma2 semaphore(%arg16 : memref<!tpu.dma_semaphore, #tpu.memory_space<semaphore_mem>>) src(%dma_wait3A_78 : memref<4096xf32, #tpu.memory_space<hbm>>) dst(%arg11 : memref<4096xf32, #tpu.memory_space<vmem>>)
      %scan3A_79 = arith.constant 0 : i32
      %scan3A_80 = arith.constant 256 : i32
      %scan3A_81 = arith.addi %scan3A_79, %scan3A_80 : i32
      %scan3A_82 = arith.constant 1 : i32
      scf.for %scan3A_84 = %scan3A_79 to %scan3A_81 step %scan3A_82  : i32 {
        %mul3A_85 = arith.constant 1 : i32
        %mul3A_86 = arith.muli %scan3A_84, %mul3A_85 : i32
        %add3A_87 = arith.constant 0 : i32
        %add3A_88 = arith.addi %add3A_87, %mul3A_86 : i32
        %mul3A_89 = arith.constant 16 : i32
        %mul3A_90 = arith.muli %add3A_88, %mul3A_89 : i32
        %get3A = arith.index_cast %mul3A_90 : i32 to index
        %get3A_91 = tpu.vector_load %arg9[%get3A] {strides = array<i32>} : memref<4096xf32, #tpu.memory_space<vmem>>, vector<16xf32>,
        %get3A_92 = vector.shape_cast %get3A_91 : vector<16xf32> to vector<16xf32>
        %get3A_93 = arith.index_cast %mul3A_90 : i32 to index
        %get3A_94 = tpu.vector_load %arg10[%get3A_93] {strides = array<i32>} : memref<4096xf32, #tpu.memory_space<vmem>>, vector<16xf32>,
        %get3A_95 = vector.shape_cast %get3A_94 : vector<16xf32> to vector<16xf32>
        %add3A_96 = arith.addf %get3A_92, %get3A_95 : vector<16xf32>
        %get3A_97 = arith.index_cast %mul3A_90 : i32 to index
        %get3A_98 = tpu.vector_load %arg11[%get3A_97] {strides = array<i32>} : memref<4096xf32, #tpu.memory_space<vmem>>, vector<16xf32>,
        %get3A_99 = vector.shape_cast %get3A_98 : vector<16xf32> to vector<16xf32>
        %div3A_100 = arith.divf %add3A_96, %get3A_99 : vector<16xf32>
        %swap3A = arith.index_cast %mul3A_90 : i32 to index
        %swap3A_101 = tpu.vector_load %arg9[%swap3A] {strides = array<i32>} : memref<4096xf32, #tpu.memory_space<vmem>>, vector<16xf32>,
        %swap3A_102 = vector.shape_cast %swap3A_101 : vector<16xf32> to vector<16xf32>
        %swap3A_103 = vector.shape_cast %div3A_100 : vector<16xf32> to vector<16xf32>
        tpu.vector_store %arg9[%swap3A], %swap3A_103 {strides = array<i32>} : memref<4096xf32, #tpu.memory_space<vmem>>, vector<16xf32>,
      }
      %scan3A_83 = arith.constant 256 : i32
      "tpu.region"() ({
        %run_scoped3A = tpu.sem_alloc : memref<!tpu.dma_semaphore, #tpu.memory_space<semaphore_mem>>
        %dma_start3A_84 = tpu.memref_slice %arg7[%add3A_63] : memref<458752xf32, #tpu.memory_space<vmem_shared>> -> memref<4096xf32, #tpu.memory_space<vmem_shared>>
        %dma_start3A_85 = tpu.memref_slice %arg7[%add3A_63] : memref<458752xf32, #tpu.memory_space<vmem_shared>> -> memref<4096xf32, #tpu.memory_space<vmem_shared>>
        tpu.enqueue_dma source(%arg9 : memref<4096xf32, #tpu.memory_space<vmem>>) target(%dma_start3A_85 : memref<4096xf32, #tpu.memory_space<vmem_shared>>) target_semaphore(%run_scoped3A : memref<!tpu.dma_semaphore, #tpu.memory_space<semaphore_mem>>)
        %dma_wait3A_86 = tpu.memref_slice %arg7[%add3A_63] : memref<458752xf32, #tpu.memory_space<vmem_shared>> -> memref<4096xf32, #tpu.memory_space<vmem_shared>>
        %dma_wait3A_87 = tpu.memref_slice %arg7[%add3A_63] : memref<458752xf32, #tpu.memory_space<vmem_shared>> -> memref<4096xf32, #tpu.memory_space<vmem_shared>>
        tpu.wait_dma2 semaphore(%run_scoped3A : memref<!tpu.dma_semaphore, #tpu.memory_space<semaphore_mem>>) src(%arg9 : memref<4096xf32, #tpu.memory_space<vmem>>) dst(%dma_wait3A_87 : memref<4096xf32, #tpu.memory_space<vmem_shared>>)
        tpu.yield
      }) : () -> ()
    }
    %scan3A_9 = arith.constant 7 : i32
    %scan3A_10 = arith.constant 0 : i32
    %scan3A_11 = arith.constant 7 : i32
    %scan3A_12 = arith.addi %scan3A_10, %scan3A_11 : i32
    %scan3A_13 = arith.constant 1 : i32
    scf.for %scan3A_54 = %scan3A_10 to %scan3A_12 step %scan3A_13  : i32 {
      %mul3A_55 = arith.constant 1 : i32
      %mul3A_56 = arith.muli %scan3A_54, %mul3A_55 : i32
      %add3A_57 = arith.constant 0 : i32
      %add3A_58 = arith.addi %add3A_57, %mul3A_56 : i32
      %mul3A_59 = arith.constant 28672 : i32
      %mul3A_60 = arith.muli %arg1, %mul3A_59 : i32
      %mul3A_61 = arith.constant 4096 : i32
      %mul3A_62 = arith.muli %add3A_58, %mul3A_61 : i32
      %add3A_63 = arith.addi %mul3A_60, %mul3A_62 : i32
      %add3A_64 = arith.constant 917504 : i32
      %add3A_65 = arith.addi %add3A_64, %add3A_63 : i32
      %multiple_of3A = tpu.assume_multiple %add3A_65, 8 : i32
      %add3A_66 = arith.constant 2293760 : i32
      %add3A_67 = arith.addi %add3A_66, %add3A_63 : i32
      %multiple_of3A_68 = tpu.assume_multiple %add3A_67, 8 : i32
      %dma_start3A = tpu.memref_slice %arg2[%multiple_of3A] : memref<2752512xf32, #tpu.memory_space<hbm>> -> memref<4096xf32, #tpu.memory_space<hbm>>
      %dma_start3A_69 = tpu.memref_slice %arg2[%multiple_of3A] : memref<2752512xf32, #tpu.memory_space<hbm>> -> memref<4096xf32, #tpu.memory_space<hbm>>
      tpu.enqueue_dma source(%dma_start3A_69 : memref<4096xf32, #tpu.memory_space<hbm>>) target(%arg9 : memref<4096xf32, #tpu.memory_space<vmem>>) target_semaphore(%arg16 : memref<!tpu.dma_semaphore, #tpu.memory_space<semaphore_mem>>)
      %dma_start3A_70 = tpu.memref_slice %arg2[%multiple_of3A_68] : memref<2752512xf32, #tpu.memory_space<hbm>> -> memref<4096xf32, #tpu.memory_space<hbm>>
      %dma_start3A_71 = tpu.memref_slice %arg2[%multiple_of3A_68] : memref<2752512xf32, #tpu.memory_space<hbm>> -> memref<4096xf32, #tpu.memory_space<hbm>>
      tpu.enqueue_dma source(%dma_start3A_71 : memref<4096xf32, #tpu.memory_space<hbm>>) target(%arg10 : memref<4096xf32, #tpu.memory_space<vmem>>) target_semaphore(%arg16 : memref<!tpu.dma_semaphore, #tpu.memory_space<semaphore_mem>>)
      %dma_start3A_72 = tpu.memref_slice %arg3[%add3A_63] : memref<458752xf32, #tpu.memory_space<hbm>> -> memref<4096xf32, #tpu.memory_space<hbm>>
      %dma_start3A_73 = tpu.memref_slice %arg3[%add3A_63] : memref<458752xf32, #tpu.memory_space<hbm>> -> memref<4096xf32, #tpu.memory_space<hbm>>
      tpu.enqueue_dma source(%dma_start3A_73 : memref<4096xf32, #tpu.memory_space<hbm>>) target(%arg11 : memref<4096xf32, #tpu.memory_space<vmem>>) target_semaphore(%arg16 : memref<!tpu.dma_semaphore, #tpu.memory_space<semaphore_mem>>)
      %dma_wait3A = tpu.memref_slice %arg2[%multiple_of3A] : memref<2752512xf32, #tpu.memory_space<hbm>> -> memref<4096xf32, #tpu.memory_space<hbm>>
      %dma_wait3A_74 = tpu.memref_slice %arg2[%multiple_of3A] : memref<2752512xf32, #tpu.memory_space<hbm>> -> memref<4096xf32, #tpu.memory_space<hbm>>
      tpu.wait_dma2 semaphore(%arg16 : memref<!tpu.dma_semaphore, #tpu.memory_space<semaphore_mem>>) src(%dma_wait3A_74 : memref<4096xf32, #tpu.memory_space<hbm>>) dst(%arg9 : memref<4096xf32, #tpu.memory_space<vmem>>)
      %dma_wait3A_75 = tpu.memref_slice %arg2[%multiple_of3A_68] : memref<2752512xf32, #tpu.memory_space<hbm>> -> memref<4096xf32, #tpu.memory_space<hbm>>
      %dma_wait3A_76 = tpu.memref_slice %arg2[%multiple_of3A_68] : memref<2752512xf32, #tpu.memory_space<hbm>> -> memref<4096xf32, #tpu.memory_space<hbm>>
      tpu.wait_dma2 semaphore(%arg16 : memref<!tpu.dma_semaphore, #tpu.memory_space<semaphore_mem>>) src(%dma_wait3A_76 : memref<4096xf32, #tpu.memory_space<hbm>>) dst(%arg10 : memref<4096xf32, #tpu.memory_space<vmem>>)
      %dma_wait3A_77 = tpu.memref_slice %arg3[%add3A_63] : memref<458752xf32, #tpu.memory_space<hbm>> -> memref<4096xf32, #tpu.memory_space<hbm>>
      %dma_wait3A_78 = tpu.memref_slice %arg3[%add3A_63] : memref<458752xf32, #tpu.memory_space<hbm>> -> memref<4096xf32, #tpu.memory_space<hbm>>
      tpu.wait_dma2 semaphore(%arg16 : memref<!tpu.dma_semaphore, #tpu.memory_space<semaphore_mem>>) src(%dma_wait3A_78 : memref<4096xf32, #tpu.memory_space<hbm>>) dst(%arg11 : memref<4096xf32, #tpu.memory_space<vmem>>)
      %scan3A_79 = arith.constant 0 : i32
      %scan3A_80 = arith.constant 256 : i32
      %scan3A_81 = arith.addi %scan3A_79, %scan3A_80 : i32
      %scan3A_82 = arith.constant 1 : i32
      scf.for %scan3A_84 = %scan3A_79 to %scan3A_81 step %scan3A_82  : i32 {
        %mul3A_85 = arith.constant 1 : i32
        %mul3A_86 = arith.muli %scan3A_84, %mul3A_85 : i32
        %add3A_87 = arith.constant 0 : i32
        %add3A_88 = arith.addi %add3A_87, %mul3A_86 : i32
        %mul3A_89 = arith.constant 16 : i32
        %mul3A_90 = arith.muli %add3A_88, %mul3A_89 : i32
        %get3A = arith.index_cast %mul3A_90 : i32 to index
        %get3A_91 = tpu.vector_load %arg9[%get3A] {strides = array<i32>} : memref<4096xf32, #tpu.memory_space<vmem>>, vector<16xf32>,
        %get3A_92 = vector.shape_cast %get3A_91 : vector<16xf32> to vector<16xf32>
        %get3A_93 = arith.index_cast %mul3A_90 : i32 to index
        %get3A_94 = tpu.vector_load %arg10[%get3A_93] {strides = array<i32>} : memref<4096xf32, #tpu.memory_space<vmem>>, vector<16xf32>,
        %get3A_95 = vector.shape_cast %get3A_94 : vector<16xf32> to vector<16xf32>
        %add3A_96 = arith.addf %get3A_92, %get3A_95 : vector<16xf32>
        %get3A_97 = arith.index_cast %mul3A_90 : i32 to index
        %get3A_98 = tpu.vector_load %arg11[%get3A_97] {strides = array<i32>} : memref<4096xf32, #tpu.memory_space<vmem>>, vector<16xf32>,
        %get3A_99 = vector.shape_cast %get3A_98 : vector<16xf32> to vector<16xf32>
        %div3A_100 = arith.divf %add3A_96, %get3A_99 : vector<16xf32>
        %swap3A = arith.index_cast %mul3A_90 : i32 to index
        %swap3A_101 = tpu.vector_load %arg9[%swap3A] {strides = array<i32>} : memref<4096xf32, #tpu.memory_space<vmem>>, vector<16xf32>,
        %swap3A_102 = vector.shape_cast %swap3A_101 : vector<16xf32> to vector<16xf32>
        %swap3A_103 = vector.shape_cast %div3A_100 : vector<16xf32> to vector<16xf32>
        tpu.vector_store %arg9[%swap3A], %swap3A_103 {strides = array<i32>} : memref<4096xf32, #tpu.memory_space<vmem>>, vector<16xf32>,
      }
      %scan3A_83 = arith.constant 256 : i32
      "tpu.region"() ({
        %run_scoped3A = tpu.sem_alloc : memref<!tpu.dma_semaphore, #tpu.memory_space<semaphore_mem>>
        %dma_start3A_84 = tpu.memref_slice %arg8[%add3A_63] : memref<458752xf32, #tpu.memory_space<vmem_shared>> -> memref<4096xf32, #tpu.memory_space<vmem_shared>>
        %dma_start3A_85 = tpu.memref_slice %arg8[%add3A_63] : memref<458752xf32, #tpu.memory_space<vmem_shared>> -> memref<4096xf32, #tpu.memory_space<vmem_shared>>
        tpu.enqueue_dma source(%arg9 : memref<4096xf32, #tpu.memory_space<vmem>>) target(%dma_start3A_85 : memref<4096xf32, #tpu.memory_space<vmem_shared>>) target_semaphore(%run_scoped3A : memref<!tpu.dma_semaphore, #tpu.memory_space<semaphore_mem>>)
        %dma_wait3A_86 = tpu.memref_slice %arg8[%add3A_63] : memref<458752xf32, #tpu.memory_space<vmem_shared>> -> memref<4096xf32, #tpu.memory_space<vmem_shared>>
        %dma_wait3A_87 = tpu.memref_slice %arg8[%add3A_63] : memref<458752xf32, #tpu.memory_space<vmem_shared>> -> memref<4096xf32, #tpu.memory_space<vmem_shared>>
        tpu.wait_dma2 semaphore(%run_scoped3A : memref<!tpu.dma_semaphore, #tpu.memory_space<semaphore_mem>>) src(%arg9 : memref<4096xf32, #tpu.memory_space<vmem>>) dst(%dma_wait3A_87 : memref<4096xf32, #tpu.memory_space<vmem_shared>>)
        tpu.yield
      }) : () -> ()
    }
    %scan3A_14 = arith.constant 7 : i32
    %barrier3A = arith.constant 0 : index
    tpu.barrier barrier_id(%barrier3A)
    %mul3A_15 = arith.constant 65536 : i32
    %mul3A_16 = arith.muli %add3A, %mul3A_15 : i32
    %jit3A = arith.constant 4 : i32
    %div3A = arith.divsi %add3A, %jit3A : i32
    %sign3A = arith.constant 0 : i32
    %sign3A_17 = arith.cmpi sgt, %add3A, %sign3A : i32
    %sign3A_18 = arith.extui %sign3A_17 : i1 to i32
    %sign3A_19 = arith.constant 0 : i32
    %sign3A_20 = arith.cmpi slt, %add3A, %sign3A_19 : i32
    %sign3A_21 = arith.extui %sign3A_20 : i1 to i32
    %sign3A_22 = arith.subi %sign3A_18, %sign3A_21 : i32
    %sign3A_23 = arith.constant 0 : i32
    %sign3A_24 = arith.cmpi sgt, %jit3A, %sign3A_23 : i32
    %sign3A_25 = arith.extui %sign3A_24 : i1 to i32
    %sign3A_26 = arith.constant 0 : i32
    %sign3A_27 = arith.cmpi slt, %jit3A, %sign3A_26 : i32
    %sign3A_28 = arith.extui %sign3A_27 : i1 to i32
    %sign3A_29 = arith.subi %sign3A_25, %sign3A_28 : i32
    %ne3A = arith.cmpi ne, %sign3A_22, %sign3A_29 : i32
    %rem3A = arith.remsi %add3A, %jit3A : i32
    %ne3A_30 = arith.constant 0 : i32
    %ne3A_31 = arith.cmpi ne, %rem3A, %ne3A_30 : i32
    %and3A = arith.andi %ne3A, %ne3A_31 : i1
    %sub3A = arith.constant 1 : i32
    %sub3A_32 = arith.subi %div3A, %sub3A : i32
    %select_n3A = arith.select %and3A, %sub3A_32, %div3A : i32
    %jit3A_33 = arith.constant 4 : i32
    %eq3A = arith.constant 0 : i32
    %eq3A_34 = arith.cmpi eq, %jit3A_33, %eq3A : i32
    %jit3A_35 = arith.constant 1 : i32
    %select_n3A_36 = arith.select %eq3A_34, %jit3A_35, %jit3A_33 : i32
    %rem3A_37 = arith.remsi %add3A, %select_n3A_36 : i32
    %ne3A_38 = arith.constant 0 : i32
    %ne3A_39 = arith.cmpi ne, %rem3A_37, %ne3A_38 : i32
    %lt3A = arith.constant 0 : i32
    %lt3A_40 = arith.cmpi slt, %rem3A_37, %lt3A : i32
    %lt3A_41 = arith.constant 0 : i32
    %lt3A_42 = arith.cmpi slt, %select_n3A_36, %lt3A_41 : i32
    %ne3A_43 = arith.xori %lt3A_40, %lt3A_42 : i1
    %and3A_44 = arith.andi %ne3A_43, %ne3A_39 : i1
    %add3A_45 = arith.addi %rem3A_37, %select_n3A_36 : i32
    %select_n3A_46 = arith.select %and3A_44, %add3A_45, %rem3A_37 : i32
    %mul3A_47 = arith.constant 65536 : i32
    %mul3A_48 = arith.muli %select_n3A_46, %mul3A_47 : i32
    %scan3A_49 = arith.constant 0 : i32
    %scan3A_50 = arith.constant 16 : i32
    %scan3A_51 = arith.addi %scan3A_49, %scan3A_50 : i32
    %scan3A_52 = arith.constant 1 : i32
    scf.for %scan3A_54 = %scan3A_49 to %scan3A_51 step %scan3A_52  : i32 {
      %mul3A_55 = arith.constant 1 : i32
      %mul3A_56 = arith.muli %scan3A_54, %mul3A_55 : i32
      %add3A_57 = arith.constant 0 : i32
      %add3A_58 = arith.addi %add3A_57, %mul3A_56 : i32
      %mul3A_59 = arith.constant 4096 : i32
      %mul3A_60 = arith.muli %add3A_58, %mul3A_59 : i32
      %add3A_61 = arith.addi %mul3A_16, %mul3A_60 : i32
      %multiple_of3A = tpu.assume_multiple %add3A_61, 8 : i32
      "tpu.region"() ({
        %run_scoped3A = tpu.sem_alloc : memref<!tpu.dma_semaphore, #tpu.memory_space<semaphore_mem>>
        %dma_start3A_117 = tpu.memref_slice %arg4[%multiple_of3A] : memref<2097152xi32, #tpu.memory_space<hbm>> -> memref<4096xi32, #tpu.memory_space<hbm>>
        %dma_start3A_118 = tpu.memref_slice %arg4[%multiple_of3A] : memref<2097152xi32, #tpu.memory_space<hbm>> -> memref<4096xi32, #tpu.memory_space<hbm>>
        tpu.enqueue_dma source(%dma_start3A_118 : memref<4096xi32, #tpu.memory_space<hbm>>) target(%arg12 : memref<4096xi32, #tpu.memory_space<vmem>>) target_semaphore(%run_scoped3A : memref<!tpu.dma_semaphore, #tpu.memory_space<semaphore_mem>>)
        %dma_wait3A_119 = tpu.memref_slice %arg4[%multiple_of3A] : memref<2097152xi32, #tpu.memory_space<hbm>> -> memref<4096xi32, #tpu.memory_space<hbm>>
        %dma_wait3A_120 = tpu.memref_slice %arg4[%multiple_of3A] : memref<2097152xi32, #tpu.memory_space<hbm>> -> memref<4096xi32, #tpu.memory_space<hbm>>
        tpu.wait_dma2 semaphore(%run_scoped3A : memref<!tpu.dma_semaphore, #tpu.memory_space<semaphore_mem>>) src(%dma_wait3A_120 : memref<4096xi32, #tpu.memory_space<hbm>>) dst(%arg12 : memref<4096xi32, #tpu.memory_space<vmem>>)
        tpu.yield
      }) : () -> ()
      %dma_start3A = arith.constant 0 : i32
      %dma_start3A_62 = tpu.memref_slice %arg6[%dma_start3A] : memref<458752xf32, #tpu.memory_space<vmem_shared>> -> memref<458752xf32, #tpu.memory_space<vmem_shared>>
      tpu.enqueue_indirect_dma source(%dma_start3A_62 : memref<458752xf32, #tpu.memory_space<vmem_shared>>) target(%arg13 : memref<4096xf32, #tpu.memory_space<vmem>>) offsets(%arg12 : memref<4096xi32, #tpu.memory_space<vmem>>) semaphore(%arg17 : memref<!tpu.dma_semaphore, #tpu.memory_space<semaphore_mem>>)
      %dma_start3A_63 = arith.constant 0 : i32
      %dma_start3A_64 = tpu.memref_slice %arg7[%dma_start3A_63] : memref<458752xf32, #tpu.memory_space<vmem_shared>> -> memref<458752xf32, #tpu.memory_space<vmem_shared>>
      tpu.enqueue_indirect_dma source(%dma_start3A_64 : memref<458752xf32, #tpu.memory_space<vmem_shared>>) target(%arg14 : memref<4096xf32, #tpu.memory_space<vmem>>) offsets(%arg12 : memref<4096xi32, #tpu.memory_space<vmem>>) semaphore(%arg17 : memref<!tpu.dma_semaphore, #tpu.memory_space<semaphore_mem>>)
      %dma_start3A_65 = arith.constant 0 : i32
      %dma_start3A_66 = tpu.memref_slice %arg8[%dma_start3A_65] : memref<458752xf32, #tpu.memory_space<vmem_shared>> -> memref<458752xf32, #tpu.memory_space<vmem_shared>>
      tpu.enqueue_indirect_dma source(%dma_start3A_66 : memref<458752xf32, #tpu.memory_space<vmem_shared>>) target(%arg15 : memref<4096xf32, #tpu.memory_space<vmem>>) offsets(%arg12 : memref<4096xi32, #tpu.memory_space<vmem>>) semaphore(%arg17 : memref<!tpu.dma_semaphore, #tpu.memory_space<semaphore_mem>>)
      %dma_wait3A = arith.constant 0 : i32
      %dma_wait3A_67 = tpu.memref_slice %arg6[%dma_wait3A] : memref<458752xf32, #tpu.memory_space<vmem_shared>> -> memref<458752xf32, #tpu.memory_space<vmem_shared>>
      tpu.wait_indirect_dma semaphore(%arg17 : memref<!tpu.dma_semaphore, #tpu.memory_space<semaphore_mem>>) src(%dma_wait3A_67 : memref<458752xf32, #tpu.memory_space<vmem_shared>>) dst(%arg13 : memref<4096xf32, #tpu.memory_space<vmem>>)
      %dma_wait3A_68 = arith.constant 0 : i32
      %dma_wait3A_69 = tpu.memref_slice %arg7[%dma_wait3A_68] : memref<458752xf32, #tpu.memory_space<vmem_shared>> -> memref<458752xf32, #tpu.memory_space<vmem_shared>>
      tpu.wait_indirect_dma semaphore(%arg17 : memref<!tpu.dma_semaphore, #tpu.memory_space<semaphore_mem>>) src(%dma_wait3A_69 : memref<458752xf32, #tpu.memory_space<vmem_shared>>) dst(%arg14 : memref<4096xf32, #tpu.memory_space<vmem>>)
      %dma_wait3A_70 = arith.constant 0 : i32
      %dma_wait3A_71 = tpu.memref_slice %arg8[%dma_wait3A_70] : memref<458752xf32, #tpu.memory_space<vmem_shared>> -> memref<458752xf32, #tpu.memory_space<vmem_shared>>
      tpu.wait_indirect_dma semaphore(%arg17 : memref<!tpu.dma_semaphore, #tpu.memory_space<semaphore_mem>>) src(%dma_wait3A_71 : memref<458752xf32, #tpu.memory_space<vmem_shared>>) dst(%arg15 : memref<4096xf32, #tpu.memory_space<vmem>>)
      %mul3A_72 = arith.constant 3 : i32
      %mul3A_73 = arith.muli %select_n3A, %mul3A_72 : i32
      %add3A_74 = arith.constant 0 : i32
      %add3A_75 = arith.addi %mul3A_73, %add3A_74 : i32
      %mul3A_76 = arith.constant 262144 : i32
      %mul3A_77 = arith.muli %add3A_75, %mul3A_76 : i32
      %add3A_78 = arith.addi %mul3A_77, %mul3A_48 : i32
      %mul3A_79 = arith.constant 4096 : i32
      %mul3A_80 = arith.muli %add3A_58, %mul3A_79 : i32
      %add3A_81 = arith.addi %add3A_78, %mul3A_80 : i32
      %multiple_of3A_82 = tpu.assume_multiple %add3A_81, 8 : i32
      %mul3A_83 = arith.constant 3 : i32
      %mul3A_84 = arith.muli %select_n3A, %mul3A_83 : i32
      %add3A_85 = arith.constant 1 : i32
      %add3A_86 = arith.addi %mul3A_84, %add3A_85 : i32
      %mul3A_87 = arith.constant 262144 : i32
      %mul3A_88 = arith.muli %add3A_86, %mul3A_87 : i32
      %add3A_89 = arith.addi %mul3A_88, %mul3A_48 : i32
      %mul3A_90 = arith.constant 4096 : i32
      %mul3A_91 = arith.muli %add3A_58, %mul3A_90 : i32
      %add3A_92 = arith.addi %add3A_89, %mul3A_91 : i32
      %multiple_of3A_93 = tpu.assume_multiple %add3A_92, 8 : i32
      %mul3A_94 = arith.constant 3 : i32
      %mul3A_95 = arith.muli %select_n3A, %mul3A_94 : i32
      %add3A_96 = arith.constant 2 : i32
      %add3A_97 = arith.addi %mul3A_95, %add3A_96 : i32
      %mul3A_98 = arith.constant 262144 : i32
      %mul3A_99 = arith.muli %add3A_97, %mul3A_98 : i32
      %add3A_100 = arith.addi %mul3A_99, %mul3A_48 : i32
      %mul3A_101 = arith.constant 4096 : i32
      %mul3A_102 = arith.muli %add3A_58, %mul3A_101 : i32
      %add3A_103 = arith.addi %add3A_100, %mul3A_102 : i32
      %multiple_of3A_104 = tpu.assume_multiple %add3A_103, 8 : i32
      %dma_start3A_105 = tpu.memref_slice %arg5[%multiple_of3A_82] : memref<6291456xf32, #tpu.memory_space<hbm>> -> memref<4096xf32, #tpu.memory_space<hbm>>
      %dma_start3A_106 = tpu.memref_slice %arg5[%multiple_of3A_82] : memref<6291456xf32, #tpu.memory_space<hbm>> -> memref<4096xf32, #tpu.memory_space<hbm>>
      tpu.enqueue_dma source(%arg13 : memref<4096xf32, #tpu.memory_space<vmem>>) target(%dma_start3A_106 : memref<4096xf32, #tpu.memory_space<hbm>>) target_semaphore(%arg16 : memref<!tpu.dma_semaphore, #tpu.memory_space<semaphore_mem>>)
      %dma_start3A_107 = tpu.memref_slice %arg5[%multiple_of3A_93] : memref<6291456xf32, #tpu.memory_space<hbm>> -> memref<4096xf32, #tpu.memory_space<hbm>>
      %dma_start3A_108 = tpu.memref_slice %arg5[%multiple_of3A_93] : memref<6291456xf32, #tpu.memory_space<hbm>> -> memref<4096xf32, #tpu.memory_space<hbm>>
      tpu.enqueue_dma source(%arg14 : memref<4096xf32, #tpu.memory_space<vmem>>) target(%dma_start3A_108 : memref<4096xf32, #tpu.memory_space<hbm>>) target_semaphore(%arg16 : memref<!tpu.dma_semaphore, #tpu.memory_space<semaphore_mem>>)
      %dma_start3A_109 = tpu.memref_slice %arg5[%multiple_of3A_104] : memref<6291456xf32, #tpu.memory_space<hbm>> -> memref<4096xf32, #tpu.memory_space<hbm>>
      %dma_start3A_110 = tpu.memref_slice %arg5[%multiple_of3A_104] : memref<6291456xf32, #tpu.memory_space<hbm>> -> memref<4096xf32, #tpu.memory_space<hbm>>
      tpu.enqueue_dma source(%arg15 : memref<4096xf32, #tpu.memory_space<vmem>>) target(%dma_start3A_110 : memref<4096xf32, #tpu.memory_space<hbm>>) target_semaphore(%arg16 : memref<!tpu.dma_semaphore, #tpu.memory_space<semaphore_mem>>)
      %dma_wait3A_111 = tpu.memref_slice %arg5[%multiple_of3A_82] : memref<6291456xf32, #tpu.memory_space<hbm>> -> memref<4096xf32, #tpu.memory_space<hbm>>
      %dma_wait3A_112 = tpu.memref_slice %arg5[%multiple_of3A_82] : memref<6291456xf32, #tpu.memory_space<hbm>> -> memref<4096xf32, #tpu.memory_space<hbm>>
      tpu.wait_dma2 semaphore(%arg16 : memref<!tpu.dma_semaphore, #tpu.memory_space<semaphore_mem>>) src(%arg13 : memref<4096xf32, #tpu.memory_space<vmem>>) dst(%dma_wait3A_112 : memref<4096xf32, #tpu.memory_space<hbm>>)
      %dma_wait3A_113 = tpu.memref_slice %arg5[%multiple_of3A_93] : memref<6291456xf32, #tpu.memory_space<hbm>> -> memref<4096xf32, #tpu.memory_space<hbm>>
      %dma_wait3A_114 = tpu.memref_slice %arg5[%multiple_of3A_93] : memref<6291456xf32, #tpu.memory_space<hbm>> -> memref<4096xf32, #tpu.memory_space<hbm>>
      tpu.wait_dma2 semaphore(%arg16 : memref<!tpu.dma_semaphore, #tpu.memory_space<semaphore_mem>>) src(%arg14 : memref<4096xf32, #tpu.memory_space<vmem>>) dst(%dma_wait3A_114 : memref<4096xf32, #tpu.memory_space<hbm>>)
      %dma_wait3A_115 = tpu.memref_slice %arg5[%multiple_of3A_104] : memref<6291456xf32, #tpu.memory_space<hbm>> -> memref<4096xf32, #tpu.memory_space<hbm>>
      %dma_wait3A_116 = tpu.memref_slice %arg5[%multiple_of3A_104] : memref<6291456xf32, #tpu.memory_space<hbm>> -> memref<4096xf32, #tpu.memory_space<hbm>>
      tpu.wait_dma2 semaphore(%arg16 : memref<!tpu.dma_semaphore, #tpu.memory_space<semaphore_mem>>) src(%arg15 : memref<4096xf32, #tpu.memory_space<vmem>>) dst(%dma_wait3A_116 : memref<4096xf32, #tpu.memory_space<hbm>>)
    }
    %scan3A_53 = arith.constant 16 : i32
    return
  }
}

</mosaic_0001>

<sc_bundles>
// kernel: kernel.4.cloned.1.call-start
scs
__scs_entry_jumppad:
0x0: {  	(pc) =	sbr.rel $0x88, $3  }
0x1: {  	(tag) =	ssettag $0x0;
	lr =	simm.s32 $0x1  }
0x2: {  	[smem:$0x3F9E] =	sst lr;
	_ =	strace $0xD0000000  }
0x3: {  	_ = 	snop  }
0x4: {  	_ = 	snop  }
0x5: {  	_ = 	snop  }
0x6: {  	_ = 	snop  }
0x7: {  	_ = 	snop  }
__scs_overlays_trampoline_lowered:
0x8: {  	[smem:$0x3FAD] =	sst s0  }
0x9: {  	[smem:$0x3FAE] =	sst s1  }
0xa: {  	[smem:$0x3FAF] =	sst s2  }
0xb: {  	[smem:$0x3FB0] =	sst s3  }
0xc: {  	[smem:$0x3FB1] =	sst s4  }
0xd: {  	[smem:$0x3FB2] =	sst s5  }
0xe: {  	[smem:$0x3FB3] =	sst s6  }
0xf: {  	[smem:$0x3FB4] =	sst s7  }
0x10: {  	[smem:$0x3FB5] =	sst s8  }
0x11: {  	[smem:$0x3FB6] =	sst s9;
	s0 =	simm.s32 @!p0 $0x0  }
0x12: {  	s1 =	sld [smem:$0x3F9C];
	s0 =	simm.s32 @p0 $0x1  }
0x13: {  	[smem:$0x3FB7] =	sst s0;
	s0 =	simm.s32 @!p1 $0x0  }
0x14: {  	s2 =	sld [smem:$0x3F9B];
	s0 =	simm.s32 @p1 $0x1  }
0x15: {  	[smem:$0x3FB8] =	sst s0;
	s0 =	simm.s32 @!p2 $0x0  }
0x16: {  	s3 =	sld [smem:$0x3FDB];
	s0 =	simm.s32 @p2 $0x1  }
0x17: {  	s4 =	simm.s32 $0x1BF5;
	[smem:$0x3FBA] =	sst s0  }
0x18: {  	s0 =	sld [smem:$0x3F9D];
	_ =	swait.ge [sflag:s4], $0x0  }
0x19: {  	s7 =	sld [smem:$0x3F9E]  }
0x1a: {  	s8 =	sadd.s32 $0xFFFFE003, lr  }
0x1b: {  	s9 =	sadd.s32 $0xFFFFFEF7, lr;
	s5 =	simm.s32 $0xFFFFFFFF;
	p2 =	slt.u32 s8, $0xFFFFF086  }
0x1c: {  	p1 =	slt.u32 s9, $0xF7A;
	s5 =	simm.s32 @!p2 $0x0  }
0x1d: {  	s5 =	simm.s32 @p1 $0x1;
	p0 =	seq.s32 s7, s2  }
0x1e: {  	s7 =	smul.u32 @!p0 $0xF7A, s2;
	p2 =	seq.s32 @!p0 s5, $0x0  }
0x1f: {  	s9 =	smul.u32 $0xF7A, s1;
	s8 =	simm.s32 @!p0 $0x1BF5;
	p2 =	por !p2, p0  }
0x20: {  	[sflag:s8] =	ssyncset.s32 @!p0 $0xFFFFF086;
	s6 =	sadd.s32 @!p0 s3, s7;
	s7 =	simm.s32 @!p0 $0x108  }
0x21: {  	s3 =	sadd.s32 s3, s9;
	s6 =	sadd.s32 @!p0 $0x88, s6;
	s7 =	simm.s32 @p2 $0x1082  }
0x22: {  	[simem:s7], [sflag:s8] =	dma.local @!p0 [hbm:s6], $0xF7A  }
0x23: {  	s9 =	sor.u32 $0xD0000000, s2;
	s6 =	simm.s32 $0x108;
	_ =	swait.ge @!p0 [sflag:s8], $0x0  }
0x24: {  	s3 =	sadd.s32 $0x88, s3;
	s6 =	simm.s32 @!p1 $0x1082;
	[sflag:s4] =	ssyncset.s32 $0xFFFFF086  }
0x25: {  	[simem:s6], [sflag:s4] =	dma.local [hbm:s3], $0xF7A  }
0x26: {  	[smem:$0x3F9E] =	sst s1;
	(tag) =	ssettag s2;
	_ =	strace s9  }
0x27: {  	s1 =	sld [smem:$0x3FAE]  }
0x28: {  	s2 =	sld [smem:$0x3FAF]  }
0x29: {  	s4 =	sld [smem:$0x3FB1]  }
0x2a: {  	p0 =	seq.s32 s5, $0x0;
	s5 =	sld [smem:$0x3FB2]  }
0x2b: {  	s6 =	sld [smem:$0x3FB3]  }
0x2c: {  	s7 =	sld [smem:$0x3FB4]  }
0x2d: {  	s3 =	simm.s32 $0x108;
	s8 =	sld [smem:$0x3FB5]  }
0x2e: {  	s3 =	simm.s32 @!p0 $0x1082;
	s9 =	sld [smem:$0x3FB6]  }
0x2f: {  	lr =	sadd.s32 s0, s3;
	s0 =	sld [smem:$0x3FAD]  }
0x30: {  	s3 =	sld [smem:$0x3FB0]  }
0x31: {  	[smem:$0x3FB9] =	sst s10  }
0x32: {  	s10 =	sld [smem:$0x3FB7];
	_ =	sdelay $0x3  }
0x33: {  	p0 =	seq.s32 s10, $0x1;
	s10 =	sld [smem:$0x3FB9];
	_ =	sdelay $0x3  }
0x34: {  	[smem:$0x3FB9] =	sst s10  }
0x35: {  	s10 =	sld [smem:$0x3FB8];
	_ =	sdelay $0x3  }
0x36: {  	p1 =	seq.s32 s10, $0x1;
	s10 =	sld [smem:$0x3FB9];
	_ =	sdelay $0x3  }
0x37: {  	[smem:$0x3FB9] =	sst s10  }
0x38: {  	s10 =	sld [smem:$0x3FBA]  }
0x39: {  	_ = 	snop;
	(pc) =	sbr.ind lr, $3  }
0x3a: {  	_ = 	snop  }
0x3b: {  	_ = 	snop  }
0x3c: {  	p2 =	seq.s32 s10, $0x1;
	s10 =	sld [smem:$0x3FB9]  }
0x3d: {  	_ =	shalt  }
0x3e: {  	_ =	shalt  }
0x3f: {  	_ =	shalt  }
0x40: {  	_ =	shalt  }
0x41: {  	_ =	shalt  }
0x42: {  	_ =	shalt  }
0x43: {  	_ =	shalt  }
0x44: {  	_ =	shalt  }
0x45: {  	_ =	shalt  }
0x46: {  	_ =	shalt  }
0x47: {  	_ =	shalt  }
0x48: {  	_ =	shalt  }
0x49: {  	_ =	shalt  }
0x4a: {  	_ =	shalt  }
0x4b: {  	_ =	shalt  }
0x4c: {  	_ =	shalt  }
0x4d: {  	_ =	shalt  }
0x4e: {  	_ =	shalt  }
0x4f: {  	_ =	shalt  }
0x50: {  	_ =	shalt  }
0x51: {  	_ =	shalt  }
0x52: {  	_ =	shalt  }
0x53: {  	_ =	shalt  }
0x54: {  	_ =	shalt  }
0x55: {  	_ =	shalt  }
0x56: {  	_ =	shalt  }
0x57: {  	_ =	shalt  }
0x58: {  	_ =	shalt  }
0x59: {  	_ =	shalt  }
0x5a: {  	_ =	shalt  }
0x5b: {  	_ =	shalt  }
0x5c: {  	_ =	shalt  }
0x5d: {  	_ =	shalt  }
0x5e: {  	_ =	shalt  }
0x5f: {  	_ =	shalt  }
0x60: {  	_ =	shalt  }
0x61: {  	_ =	shalt  }
0x62: {  	_ =	shalt  }
0x63: {  	_ =	shalt  }
0x64: {  	_ =	shalt  }
0x65: {  	_ =	shalt  }
0x66: {  	_ =	shalt  }
0x67: {  	_ =	shalt  }
0x68: {  	_ =	shalt  }
0x69: {  	_ =	shalt  }
0x6a: {  	_ =	shalt  }
0x6b: {  	_ =	shalt  }
0x6c: {  	_ =	shalt  }
0x6d: {  	_ =	shalt  }
0x6e: {  	_ =	shalt  }
0x6f: {  	_ =	shalt  }
0x70: {  	_ =	shalt  }
0x71: {  	_ =	shalt  }
0x72: {  	_ =	shalt  }
0x73: {  	_ =	shalt  }
0x74: {  	_ =	shalt  }
0x75: {  	_ =	shalt  }
0x76: {  	_ =	shalt  }
0x77: {  	_ =	shalt  }
0x78: {  	_ =	shalt  }
0x79: {  	_ =	shalt  }
0x7a: {  	_ =	shalt  }
0x7b: {  	_ =	shalt  }
0x7c: {  	_ =	shalt  }
0x7d: {  	_ =	shalt  }
0x7e: {  	_ =	shalt  }
0x7f: {  	_ =	shalt  }
0x80: {  	_ =	shalt  }
0x81: {  	_ =	shalt  }
0x82: {  	_ =	shalt  }
0x83: {  	_ =	shalt  }
0x84: {  	_ =	shalt  }
0x85: {  	_ =	shalt  }
0x86: {  	_ =	shalt  }
0x87: {  	_ =	shalt  }
.Lfunc_end0:
.L_simem_size_0:
called_computation_lowered:
.L_overlay_start_0:
0x88: {  	s2 =	sld [smem:$0x3FD9]  }
0x89: {  	s3 =	sld [smem:$0x3FFE];
	_ =	sdelay $0x1  }
0x8a: {  	s1 =	srdreg.scid  }
0x8b: {  	s0 =	sand.u32 $0x1, s1  }
0x8c: {  	s17 =	sshll.u32 s0, $0xA;
	s2 =	sadd.s32 s3, s2  }
0x8d: {  	s2 =	sadd.s32 s2, s17  }
0x8e: {  	[smem:$0x3FC5] =	sst s2  }
0x8f: {  	_ = 	snop  }
0x90: {  	s2 =	sld [smem:$0x3FD0];
	(tm) =	ssettm $0x1  }
0x91: {  	s18 =	sld [smem:$0x3FFB];
	_ =	sdelay $0x3  }
0x92: {  	_ =	strace s18  }
0x93: {  	s3 =	sld [smem:$0x3FFC];
	_ =	sdelay $0x3  }
0x94: {  	_ =	strace s3  }
0x95: {  	s3 =	sld [smem:$0x3FFD];
	_ =	sdelay $0x3  }
0x96: {  	_ =	strace s3  }
0x97: {  	_ =	strace $0x8FFFFFFF  }
0x98: {  	s19 =	sld [smem:$0x3FDB];
	_ =	sdelay $0x1  }
0x99: {  	s4 =	simm.s32 $_scs_section_size  }
0x9a: {  	s5 =	simm.s32 $_size__tile_overlayer_lowered;
	s6 =	simm.s32 $_tile_overlayer_lowered  }
0x9b: {  	s22 =	simm.s32 $0x1BFF;
	s21 =	sshll.u32 s6, $0x1;
	s3 =	sadd.s32 s4, s19  }
0x9c: {  	s7 =	simm.s32 $0x0;
	s20 =	sshll.u32 s5, $0x1;
	s5 =	sadd.s32 s21, s3  }
0x9d: {  	[timem:s7], [sflag:s22] =	dma.local [hbm:s5], s20  }
0x9e: {  	_ =	swait.ge [sflag:s22], s20  }
0x9f: {  	s4 =	ssub.s32 $0x0, s20;
	[sflag:s22] =	ssyncset.done $0x0  }
0xa0: {  	[sflag:s22] =	ssyncadd.s32 s4;
	_ =	sdelay $0x1  }
0xa1: {  	s23 =	simm.s32 $0x1B8B  }
0xa2: {  	_ =	swait.ge [sflag:s23], $0x1  }
0xa3: {  	[sflag:s23] =	ssyncset.done $0x0  }
0xa4: {  	s25 =	simm.s32 $0x1B8E;
	s24 =	sld [smem:$0x3FFE];
	[sflag:s23] =	ssyncadd.s32 $0xFFFFFFFF  }
0xa5: {  	s26 =	simm.s32 $execute0_lowered;
	[smem:$0x3FD2] =	sst s25  }
0xa6: {  	s5 =	sshll.u32 s26, $0x1;
	_ =	strace $0x80000046;
	[dreg:$0x1] =	wrdreg $0xFFFFFFFF  }
0xa7: {  	s28 =	simm.s32 $_size_execute0_lowered;
	s3 =	sadd.s32 s3, s5;
	[dreg:$0x0] =	wrdreg $0x0  }
0xa8: {  	s5 =	sshll.u32 s28, $0x1;
	[dreg:$0x2] =	wrdreg s3  }
0xa9: {  	[dreg:$0x3] =	wrdreg s5  }
0xaa: {  	[dreg:$0x4] =	wrdreg $0xC0  }
0xab: {  	_ =	task [dreg:s7], $0x5FFFF  }
0xac: {  	[dreg:$0x1] =	wrdreg $0xFFFFFFFF  }
0xad: {  	[dreg:$0x0] =	wrdreg $0x60  }
0xae: {  	[dreg:$0x2] =	wrdreg s24  }
0xaf: {  	[dreg:$0x3] =	wrdreg s2  }
0xb0: {  	[dreg:$0x4] =	wrdreg $0x0  }
0xb1: {  	[dreg:$0x5] =	wrdreg $0x70000  }
0xb2: {  	[dreg:$0x6] =	wrdreg $0xE0000  }
0xb3: {  	[dreg:$0x7] =	wrdreg $0x9  }
0xb4: {  	_ =	task.clear_ibuf [dreg:s7], $0x8FFFF;
	_ =	strace $0x90000046  }
0xb5: {  	s29 =	simm.s32 $0x9;
	_ =	strace $0x80000048  }
0xb6: {  	_ =	swait.ge [sflag:s29], $0x1  }
0xb7: {  	[sflag:s29] =	ssyncadd.s32 $0xFFFFFFFF  }
0xb8: {  	_ =	strace $0x90000048  }
0xb9: {  	_ =	sfence  }
0xba: {  	s30 =	sld [smem:$0x0];
	_ =	sdelay $0x2  }
0xbb: {  	s31 =	sshll.u32 s1, $0xD;
	s1 =	sshrl.u32 s1, $0x2  }
0xbc: {  	s3 =	sand.u32 $0x4000, s31;
	s1 =	sadd.s32 s1, s30  }
0xbd: {  	s0 =	sor.u32 s3, s0;
	s1 =	sshll.u32 s1, $0x11  }
0xbe: {  	s0 =	sor.u32 s1, s0  }
0xbf: {  	s0 =	sadd.s32 $0x8F2B, s0  }
0xc0: {  	[sflag:s0] =	ssyncadd.remote.s32 $0x1  }
0xc1: {  	_ =	sfence.sel $0xFFFF  }
0xc2: {  	[dreg:$0x0] =	wrdreg $0xFFFFFFFF;
	(pc) =	sbr.abs _section_cstart, $3  }
0xc3: {  	[dreg:$0x1] =	wrdreg $0xFFFFFFFF  }
0xc4: {  	_ =	task.clear_ibuf [dreg:s7], $0x2FFFF;
	_ =	strace $0x9FFFFFFF  }
0xc5: {  	(tm) =	ssettm $0x7FFFFFFF  }
tec
execute0_lowered:
.L_overlay_start_1:
0x0: {  	(tag) =	ssettag $0x1  }
0x1: {  	s0 =	rddreg [dreg:$0x0]  }
0x2: {  	s1 =	rddreg [dreg:$0x1]  }
0x3: {  	s2 =	rddreg [dreg:$0x2]  }
0x4: {  	s3 =	rddreg [dreg:$0x3]  }
0x5: {  	s5 =	srdreg.scid;
	s4 =	rddreg [dreg:$0x4]  }
0x6: {  	s11 =	stileid.u32;
	s6 =	sand.u32 $0x1, s5;
	s5 =	simm.s32 $0x0  }
0x7: {  	s8 =	sshll.u32 s11, $0x10;
	s7 =	sshll.u32 s6, $0x14;
	[smem:$0x7FF] =	sst s5  }
0x8: {  	s9 =	smul.u32 $0x150000, s6;
	s10 =	sshll.u32 s6, $0x4;
	s6 =	ssub.s32 $0x2, s6  }
0x9: {  	s7 =	sor.u32 s8, s7;
	s8 =	smul.u32 $0x7000, s11;
	_ =	strace $0x80000047  }
0xa: {  	s10 =	sor.u32 s11, s10;
	s11 =	sand.u32 $0x3, s11;
	s12 =	sshrl.u32 s6, $0x1  }
0xb: {  	s7 =	sshrl.u32 s7, $0x3;
	p0 =	seq.s32 s10, $0x0;
	p1 =	sne.s32 s11, $0x0  }
0xc: {  	s6 =	ssub.s32 s6, s12;
	s16 =	sshll.u32 s11, $0x10;
	s10 =	sshrl.u32 s10, $0x2  }
0xd: {  	s7 =	sadd.s32 s7, s0;
	s9 =	sadd.s32 s9, s8;
	p0 =	por !p1, !p0  }
0xe: {  	s19 =	smax.u32 s6, $0x1;
	s20 =	sadd.s32 $0x1000, s8;
	s6 =	simm.s32 $0x1  }
0xf: {  	s23 =	sadd.s32 $0x2000, s8;
	s29 =	sadd.s32 $0x3000, s8;
	s14 =	sadd.s32 $0x4000, s8  }
0x10: {  	s28 =	sadd.s32 s8, s4;
	[dreg:$0x9] =	wrdreg s19;
	s21 =	sadd.s32 s20, s2  }
0x11: {  	s9 =	sshrl.u32 s9, $0x3;
	s22 =	sadd.s32 s20, s3;
	[dreg:$0xa] =	wrdreg s21  }
0x12: {  	p0 =	por !p0, !p0;
	s24 =	sadd.s32 s23, s2;
	[dreg:$0xb] =	wrdreg s22  }
0x13: {  	s26 =	sadd.s32 s23, s3;
	s11 =	sadd.s32 s23, s4;
	[dreg:$0xd] =	wrdreg s24  }
0x14: {  	s12 =	sadd.s32 s29, s2;
	s13 =	sadd.s32 s29, s3;
	[dreg:$0xe] =	wrdreg s26  }
0x15: {  	s23 =	sadd.s32 $0x5000, s8;
	s7 =	sadd.s32 $0x600, s7;
	[dreg:$0xf] =	wrdreg s11  }
0x16: {  	s0 =	sadd.s32 s9, s0;
	s6 =	simm.s32 @!p0 $0x0;
	[dreg:$0x10] =	wrdreg s12  }
0x17: {  	[dreg:$0x11] =	wrdreg s13;
	s22 =	sadd.s32 s14, s4;
	s26 =	sadd.s32 s8, s3  }
0x18: {  	s24 =	sadd.s32 $0x6000, s8;
	s30 =	sadd.s32 s23, s3;
	s31 =	sadd.s32 s23, s4  }
0x19: {  	s11 =	simm.s32 $0x16000;
	s17 =	sadd.s32 $0x40600, s0;
	[dreg:$0x15] =	wrdreg s22  }
0x1a: {  	s12 =	simm.s32 $0x18000;
	s18 =	sadd.s32 $0x4E600, s0;
	[dreg:$0x6] =	wrdreg s17  }
0x1b: {  	s13 =	simm.s32 $0x1A000;
	s0 =	sadd.s32 $0x5C600, s0;
	[dreg:$0x7] =	wrdreg s18  }
0x1c: {  	s25 =	ssub.s32 s10, s6;
	s6 =	sadd.s32 s29, s4;
	[dreg:$0x8] =	wrdreg s0  }
0x1d: {  	s29 =	sadd.s32 s23, s2;
	s10 =	simm.s32 $0x3;
	[dreg:$0x12] =	wrdreg s6  }
0x1e: {  	s0 =	sadd.s32 s20, s4;
	s17 =	sadd.s32 s14, s2;
	[dreg:$0x16] =	wrdreg s29  }
0x1f: {  	s18 =	sadd.s32 s14, s3;
	[dreg:$0xc] =	wrdreg s0;
	s0 =	smul.u32 $0xC0000, s25  }
0x20: {  	s6 =	sadd.s32 s24, s4;
	s14 =	simm.s32 $0x1C000;
	[dreg:$0x13] =	wrdreg s17  }
0x21: {  	[dreg:$0x14] =	wrdreg s18;
	s25 =	sadd.s32 s8, s2;
	s0 =	sor.u32 s16, s0  }
0x22: {  	s8 =	simm.s32 $0x1;
	s17 =	simm.s32 $0x0;
	s9 =	sshrl.u32 s0, $0x3  }
0x23: {  	s15 =	sadd.s32 $0x80000, s0;
	s0 =	sadd.s32 $0x40000, s0;
	s19 =	sadd.s32 s9, s1  }
0x24: {  	s16 =	sshrl.u32 s15, $0x3;
	s0 =	sshrl.u32 s0, $0x3;
	s9 =	simm.s32 $0x15000  }
0x25: {  	s15 =	simm.s32 $0x2000;
	s20 =	sadd.s32 s16, s1;
	s21 =	sadd.s32 s0, s1  }
0x26: {  	v0 =	vimm.f32 $0.0e+00;
	s0 =	sadd.s32 s24, s2;
	s1 =	sadd.s32 s24, s3;
	s16 =	simm.s32 $0x2  }
.LBB2_1:
0x27: {  	s18 =	simm.s32 $0x40;
	s22 =	simm.s32 $0x0  }
.LBB2_2:
0x28: {  	p0 =	sne.s32 s18, $0x3FC0;
	[tilespmem:s22+$0x15000] =	vst v0;
	s22 =	smov.u32 s18;
	s18 =	sadd.s32 $0x40, s18  }
.Ltmp0:
0x29: {  	(pc) =	sbr.rel @p0 .LBB2_2-.Ltmp0, $2  }
0x2a: {  	_ =	sdelay $0x2  }
0x2b: {  	s22 =	sshra.s32 s22, $0x2  }
0x2c: {  	[tilespmem:s22+$0x15000] =	vst v0  }
0x2d: {  	[spmem:s25] =	stream.linear.scatter [tilespmem:s9], [sflag:$0x3], $0x1000, $0x38;
	[tilespmem:$0x1E000] =	vst v63  }
0x2e: {  	_ =	swait.ge [sflag:s10], $0x1000  }
0x2f: {  	[sflag:s10] =	ssyncset.done $0x0  }
0x30: {  	[sflag:s10] =	ssyncadd.s32 $0xFFFFF000  }
0x31: {  	[spmem:s26] =	stream.linear.scatter [tilespmem:s9], [sflag:$0x3], $0x1000, $0x38;
	[tilespmem:$0x1E000] =	vst v63  }
0x32: {  	_ =	swait.ge [sflag:s10], $0x1000  }
0x33: {  	[sflag:s10] =	ssyncset.done $0x0  }
0x34: {  	[sflag:s10] =	ssyncadd.s32 $0xFFFFF000  }
0x35: {  	[spmem:s28] =	stream.linear.scatter [tilespmem:s9], [sflag:$0x3], $0x1000, $0x38;
	[tilespmem:$0x1E000] =	vst v63  }
0x36: {  	_ =	swait.ge [sflag:s10], $0x1000  }
0x37: {  	[sflag:s10] =	ssyncset.done $0x0  }
0x38: {  	s18 =	rddreg [dreg:$0xa];
	[sflag:s10] =	ssyncadd.s32 $0xFFFFF000  }
0x39: {  	[spmem:s18] =	stream.linear.scatter [tilespmem:s9], [sflag:$0x3], $0x1000, $0x38;
	[tilespmem:$0x1E000] =	vst v63  }
0x3a: {  	_ =	swait.ge [sflag:s10], $0x1000  }
0x3b: {  	[sflag:s10] =	ssyncset.done $0x0  }
0x3c: {  	s22 =	rddreg [dreg:$0xb];
	[sflag:s10] =	ssyncadd.s32 $0xFFFFF000  }
0x3d: {  	[spmem:s22] =	stream.linear.scatter [tilespmem:s9], [sflag:$0x3], $0x1000, $0x38;
	[tilespmem:$0x1E000] =	vst v63  }
0x3e: {  	_ =	swait.ge [sflag:s10], $0x1000  }
0x3f: {  	[sflag:s10] =	ssyncset.done $0x0  }
0x40: {  	s23 =	rddreg [dreg:$0xc];
	[sflag:s10] =	ssyncadd.s32 $0xFFFFF000  }
0x41: {  	[spmem:s23] =	stream.linear.scatter [tilespmem:s9], [sflag:$0x3], $0x1000, $0x38;
	[tilespmem:$0x1E000] =	vst v63  }
0x42: {  	_ =	swait.ge [sflag:s10], $0x1000  }
0x43: {  	[sflag:s10] =	ssyncset.done $0x0  }
0x44: {  	s24 =	rddreg [dreg:$0xd];
	[sflag:s10] =	ssyncadd.s32 $0xFFFFF000  }
0x45: {  	[spmem:s24] =	stream.linear.scatter [tilespmem:s9], [sflag:$0x3], $0x1000, $0x38;
	[tilespmem:$0x1E000] =	vst v63  }
0x46: {  	_ =	swait.ge [sflag:s10], $0x1000  }
0x47: {  	[sflag:s10] =	ssyncset.done $0x0  }
0x48: {  	s29 =	rddreg [dreg:$0xe];
	[sflag:s10] =	ssyncadd.s32 $0xFFFFF000  }
0x49: {  	[spmem:s29] =	stream.linear.scatter [tilespmem:s9], [sflag:$0x3], $0x1000, $0x38;
	[tilespmem:$0x1E000] =	vst v63  }
0x4a: {  	_ =	swait.ge [sflag:s10], $0x1000  }
0x4b: {  	[sflag:s10] =	ssyncset.done $0x0  }
0x4c: {  	s22 =	rddreg [dreg:$0xf];
	[sflag:s10] =	ssyncadd.s32 $0xFFFFF000  }
0x4d: {  	[spmem:s22] =	stream.linear.scatter [tilespmem:s9], [sflag:$0x3], $0x1000, $0x38;
	[tilespmem:$0x1E000] =	vst v63  }
0x4e: {  	_ =	swait.ge [sflag:s10], $0x1000  }
0x4f: {  	[sflag:s10] =	ssyncset.done $0x0  }
0x50: {  	s23 =	rddreg [dreg:$0x10];
	[sflag:s10] =	ssyncadd.s32 $0xFFFFF000  }
0x51: {  	[spmem:s23] =	stream.linear.scatter [tilespmem:s9], [sflag:$0x3], $0x1000, $0x38;
	[tilespmem:$0x1E000] =	vst v63  }
0x52: {  	_ =	swait.ge [sflag:s10], $0x1000  }
0x53: {  	[sflag:s10] =	ssyncset.done $0x0  }
0x54: {  	s24 =	rddreg [dreg:$0x11];
	[sflag:s10] =	ssyncadd.s32 $0xFFFFF000  }
0x55: {  	[spmem:s24] =	stream.linear.scatter [tilespmem:s9], [sflag:$0x3], $0x1000, $0x38;
	[tilespmem:$0x1E000] =	vst v63  }
0x56: {  	_ =	swait.ge [sflag:s10], $0x1000  }
0x57: {  	[sflag:s10] =	ssyncset.done $0x0  }
0x58: {  	s29 =	rddreg [dreg:$0x12];
	[sflag:s10] =	ssyncadd.s32 $0xFFFFF000  }
0x59: {  	[spmem:s29] =	stream.linear.scatter [tilespmem:s9], [sflag:$0x3], $0x1000, $0x38;
	[tilespmem:$0x1E000] =	vst v63  }
0x5a: {  	_ =	swait.ge [sflag:s10], $0x1000  }
0x5b: {  	[sflag:s10] =	ssyncset.done $0x0  }
0x5c: {  	s22 =	rddreg [dreg:$0x13];
	[sflag:s10] =	ssyncadd.s32 $0xFFFFF000  }
0x5d: {  	[spmem:s22] =	stream.linear.scatter [tilespmem:s9], [sflag:$0x3], $0x1000, $0x38;
	[tilespmem:$0x1E000] =	vst v63  }
0x5e: {  	_ =	swait.ge [sflag:s10], $0x1000  }
0x5f: {  	[sflag:s10] =	ssyncset.done $0x0  }
0x60: {  	s23 =	rddreg [dreg:$0x14];
	[sflag:s10] =	ssyncadd.s32 $0xFFFFF000  }
0x61: {  	[spmem:s23] =	stream.linear.scatter [tilespmem:s9], [sflag:$0x3], $0x1000, $0x38;
	[tilespmem:$0x1E000] =	vst v63  }
0x62: {  	_ =	swait.ge [sflag:s10], $0x1000  }
0x63: {  	[sflag:s10] =	ssyncset.done $0x0  }
0x64: {  	s24 =	rddreg [dreg:$0x15];
	[sflag:s10] =	ssyncadd.s32 $0xFFFFF000  }
0x65: {  	[spmem:s24] =	stream.linear.scatter [tilespmem:s9], [sflag:$0x3], $0x1000, $0x38;
	[tilespmem:$0x1E000] =	vst v63  }
0x66: {  	_ =	swait.ge [sflag:s10], $0x1000  }
0x67: {  	[sflag:s10] =	ssyncset.done $0x0  }
0x68: {  	s29 =	rddreg [dreg:$0x16];
	[sflag:s10] =	ssyncadd.s32 $0xFFFFF000  }
0x69: {  	[spmem:s29] =	stream.linear.scatter [tilespmem:s9], [sflag:$0x3], $0x1000, $0x38;
	[tilespmem:$0x1E000] =	vst v63  }
0x6a: {  	_ =	swait.ge [sflag:s10], $0x1000  }
0x6b: {  	[sflag:s10] =	ssyncset.done $0x0  }
0x6c: {  	[sflag:s10] =	ssyncadd.s32 $0xFFFFF000  }
0x6d: {  	[spmem:s30] =	stream.linear.scatter [tilespmem:s9], [sflag:$0x3], $0x1000, $0x38;
	[tilespmem:$0x1E000] =	vst v63  }
0x6e: {  	_ =	swait.ge [sflag:s10], $0x1000  }
0x6f: {  	[sflag:s10] =	ssyncset.done $0x0  }
0x70: {  	[sflag:s10] =	ssyncadd.s32 $0xFFFFF000  }
0x71: {  	[spmem:s31] =	stream.linear.scatter [tilespmem:s9], [sflag:$0x3], $0x1000, $0x38;
	[tilespmem:$0x1E000] =	vst v63  }
0x72: {  	_ =	swait.ge [sflag:s10], $0x1000  }
0x73: {  	[sflag:s10] =	ssyncset.done $0x0  }
0x74: {  	[sflag:s10] =	ssyncadd.s32 $0xFFFFF000  }
0x75: {  	[spmem:s0] =	stream.linear.scatter [tilespmem:s9], [sflag:$0x3], $0x1000, $0x38;
	[tilespmem:$0x1E000] =	vst v63  }
0x76: {  	_ =	swait.ge [sflag:s10], $0x1000  }
0x77: {  	[sflag:s10] =	ssyncset.done $0x0  }
0x78: {  	[sflag:s10] =	ssyncadd.s32 $0xFFFFF000  }
0x79: {  	[spmem:s1] =	stream.linear.scatter [tilespmem:s9], [sflag:$0x3], $0x1000, $0x38;
	[tilespmem:$0x1E000] =	vst v63  }
0x7a: {  	_ =	swait.ge [sflag:s10], $0x1000  }
0x7b: {  	[sflag:s10] =	ssyncset.done $0x0  }
0x7c: {  	[sflag:s10] =	ssyncadd.s32 $0xFFFFF000  }
0x7d: {  	[spmem:s6] =	stream.linear.scatter [tilespmem:s9], [sflag:$0x3], $0x1000, $0x38;
	[tilespmem:$0x1E000] =	vst v63  }
0x7e: {  	_ =	swait.ge [sflag:s10], $0x1000  }
0x7f: {  	[sflag:s10] =	ssyncset.done $0x0  }
0x80: {  	[sflag:s10] =	ssyncadd.s32 $0xFFFFF000  }
0x81: {  	s22 =	sadd.s32 $0x0, s7;
	[bflag:$0x0] =	sbarrier.arrive $0xFFFF  }
0x82: {  	[tilespmem:s11], [sflag:$0x1] =	stream.linear.gather [hbm4b:s22+s5], $0x2000, $0x38;
	[tilespmem:$0x1E000] =	vst v63  }
0x83: {  	s23 =	sadd.s32 $0x0, s19  }
0x84: {  	[tilespmem:s12], [sflag:$0x1] =	stream.linear.gather [hbm4b:s23+s5], $0x2000, $0x38;
	[tilespmem:$0x1E000] =	vst v63  }
0x85: {  	s24 =	sadd.s32 $0x0, s21  }
0x86: {  	[tilespmem:s13], [sflag:$0x1] =	stream.linear.gather [hbm4b:s24+s5], $0x2000, $0x38;
	[tilespmem:$0x1E000] =	vst v63  }
0x87: {  	s29 =	sadd.s32 $0x0, s20  }
0x88: {  	[tilespmem:s14], [sflag:$0x1] =	stream.linear.gather [hbm4b:s29+s5], $0x2000, $0x38;
	[tilespmem:$0x1E000] =	vst v63  }
0x89: {  	_ =	swait.ge [sflag:s8], $0x2000  }
0x8a: {  	[sflag:s8] =	ssyncset.done $0x0  }
0x8b: {  	[sflag:s8] =	ssyncadd.s32 $0xFFFFE000  }
0x8c: {  	_ =	swait.ge [sflag:s8], $0x2000  }
0x8d: {  	[sflag:s8] =	ssyncset.done $0x0  }
0x8e: {  	[sflag:s8] =	ssyncadd.s32 $0xFFFFE000  }
0x8f: {  	_ =	swait.ge [sflag:s8], $0x2000  }
0x90: {  	[sflag:s8] =	ssyncset.done $0x0  }
0x91: {  	[sflag:s8] =	ssyncadd.s32 $0xFFFFE000  }
0x92: {  	_ =	swait.ge [sflag:s8], $0x2000  }
0x93: {  	[sflag:s8] =	ssyncset.done $0x0  }
0x94: {  	[sflag:s8] =	ssyncadd.s32 $0xFFFFE000  }
0x95: {  	[spmem:s2] =	stream.indirect.scatter.add.f32 [tilespmem:s12], [sflag:$0x2], $0x1, s11, s15, $0xb8;
	[tilespmem:$0x1E000] =	vst v63  }
0x96: {  	_ = 	snop  }
0x97: {  	[spmem:s3] =	stream.indirect.scatter.add.f32 [tilespmem:s13], [sflag:$0x2], $0x1, s11, s15, $0xb8;
	[tilespmem:$0x1E000] =	vst v63  }
0x98: {  	_ = 	snop  }
0x99: {  	[spmem:s4] =	stream.indirect.scatter.add.f32 [tilespmem:s14], [sflag:$0x2], $0x1, s11, s15, $0xb8;
	[tilespmem:$0x1E000] =	vst v63  }
0x9a: {  	_ =	swait.ge [sflag:s16], $0x2000  }
0x9b: {  	[sflag:s16] =	ssyncset.done $0x0  }
0x9c: {  	[sflag:s16] =	ssyncadd.s32 $0xFFFFE000  }
0x9d: {  	_ =	swait.ge [sflag:s16], $0x2000  }
0x9e: {  	[sflag:s16] =	ssyncset.done $0x0  }
0x9f: {  	[sflag:s16] =	ssyncadd.s32 $0xFFFFE000  }
0xa0: {  	_ =	swait.ge [sflag:s16], $0x2000  }
0xa1: {  	s18 =	simm.s32 $0x400;
	s22 =	simm.s32 $0x800;
	[sflag:s16] =	ssyncset.done $0x0  }
.LBB2_4:
0xa2: {  	s24 =	sadd.s32 s18, s7  }
0xa3: {  	[sflag:s16] =	ssyncadd.s32 $0xFFFFE000;
	s29 =	smov.u32 s22;
	s23 =	sadd.s32 $0x400, s22  }
0xa4: {  	[tilespmem:s11], [sflag:$0x1] =	stream.linear.gather [hbm4b:s24+s5], $0x2000, $0x38;
	[tilespmem:$0x1E000] =	vst v63  }
0xa5: {  	p0 =	sne.s32 s22, $0x1C00;
	s22 =	sadd.s32 s18, s19  }
0xa6: {  	[tilespmem:s12], [sflag:$0x1] =	stream.linear.gather [hbm4b:s22+s5], $0x2000, $0x38;
	[tilespmem:$0x1E000] =	vst v63  }
0xa7: {  	s22 =	sadd.s32 s18, s21  }
0xa8: {  	[tilespmem:s13], [sflag:$0x1] =	stream.linear.gather [hbm4b:s22+s5], $0x2000, $0x38;
	[tilespmem:$0x1E000] =	vst v63  }
0xa9: {  	s22 =	sadd.s32 s18, s20;
	s18 =	smov.u32 s29  }
0xaa: {  	[tilespmem:s14], [sflag:$0x1] =	stream.linear.gather [hbm4b:s22+s5], $0x2000, $0x38;
	[tilespmem:$0x1E000] =	vst v63  }
0xab: {  	_ =	swait.ge [sflag:s8], $0x2000  }
0xac: {  	[sflag:s8] =	ssyncset.done $0x0  }
0xad: {  	[sflag:s8] =	ssyncadd.s32 $0xFFFFE000  }
0xae: {  	_ =	swait.ge [sflag:s8], $0x2000  }
0xaf: {  	[sflag:s8] =	ssyncset.done $0x0  }
0xb0: {  	[sflag:s8] =	ssyncadd.s32 $0xFFFFE000  }
0xb1: {  	_ =	swait.ge [sflag:s8], $0x2000  }
0xb2: {  	[sflag:s8] =	ssyncset.done $0x0  }
0xb3: {  	[sflag:s8] =	ssyncadd.s32 $0xFFFFE000  }
0xb4: {  	_ =	swait.ge [sflag:s8], $0x2000  }
0xb5: {  	[sflag:s8] =	ssyncset.done $0x0  }
0xb6: {  	[sflag:s8] =	ssyncadd.s32 $0xFFFFE000  }
0xb7: {  	[spmem:s2] =	stream.indirect.scatter.add.f32 [tilespmem:s12], [sflag:$0x2], $0x1, s11, s15, $0xb8;
	[tilespmem:$0x1E000] =	vst v63  }
0xb8: {  	_ = 	snop  }
0xb9: {  	[spmem:s3] =	stream.indirect.scatter.add.f32 [tilespmem:s13], [sflag:$0x2], $0x1, s11, s15, $0xb8;
	[tilespmem:$0x1E000] =	vst v63  }
0xba: {  	_ = 	snop  }
0xbb: {  	[spmem:s4] =	stream.indirect.scatter.add.f32 [tilespmem:s14], [sflag:$0x2], $0x1, s11, s15, $0xb8;
	[tilespmem:$0x1E000] =	vst v63  }
0xbc: {  	_ =	swait.ge [sflag:s16], $0x2000  }
0xbd: {  	[sflag:s16] =	ssyncset.done $0x0  }
0xbe: {  	[sflag:s16] =	ssyncadd.s32 $0xFFFFE000  }
.Ltmp1:
0xbf: {  	_ =	swait.ge [sflag:s16], $0x2000;
	(pc) =	sbr.rel @p0 .LBB2_4-.Ltmp1, $4  }
0xc0: {  	[sflag:s16] =	ssyncset.done $0x0  }
0xc1: {  	[sflag:s16] =	ssyncadd.s32 $0xFFFFE000  }
0xc2: {  	_ =	swait.ge [sflag:s16], $0x2000  }
0xc3: {  	s22 =	smov.u32 s23;
	[sflag:s16] =	ssyncset.done $0x0  }
0xc4: {  	s22 =	sadd.s32 s18, s7;
	[sflag:s16] =	ssyncadd.s32 $0xFFFFE000  }
0xc5: {  	[tilespmem:s11], [sflag:$0x1] =	stream.linear.gather [hbm4b:s22+s5], $0x2000, $0x38;
	[tilespmem:$0x1E000] =	vst v63  }
0xc6: {  	s24 =	sadd.s32 s18, s19  }
0xc7: {  	[tilespmem:s12], [sflag:$0x1] =	stream.linear.gather [hbm4b:s24+s5], $0x2000, $0x38;
	[tilespmem:$0x1E000] =	vst v63  }
0xc8: {  	s29 =	sadd.s32 s18, s21  }
0xc9: {  	[tilespmem:s13], [sflag:$0x1] =	stream.linear.gather [hbm4b:s29+s5], $0x2000, $0x38;
	[tilespmem:$0x1E000] =	vst v63  }
0xca: {  	s22 =	sadd.s32 s18, s20  }
0xcb: {  	[tilespmem:s14], [sflag:$0x1] =	stream.linear.gather [hbm4b:s22+s5], $0x2000, $0x38;
	[tilespmem:$0x1E000] =	vst v63  }
0xcc: {  	_ =	swait.ge [sflag:s8], $0x2000  }
0xcd: {  	[sflag:s8] =	ssyncset.done $0x0  }
0xce: {  	[sflag:s8] =	ssyncadd.s32 $0xFFFFE000  }
0xcf: {  	_ =	swait.ge [sflag:s8], $0x2000  }
0xd0: {  	[sflag:s8] =	ssyncset.done $0x0  }
0xd1: {  	[sflag:s8] =	ssyncadd.s32 $0xFFFFE000  }
0xd2: {  	_ =	swait.ge [sflag:s8], $0x2000  }
0xd3: {  	[sflag:s8] =	ssyncset.done $0x0  }
0xd4: {  	[sflag:s8] =	ssyncadd.s32 $0xFFFFE000  }
0xd5: {  	_ =	swait.ge [sflag:s8], $0x2000  }
0xd6: {  	[sflag:s8] =	ssyncset.done $0x0  }
0xd7: {  	[sflag:s8] =	ssyncadd.s32 $0xFFFFE000  }
0xd8: {  	[spmem:s2] =	stream.indirect.scatter.add.f32 [tilespmem:s12], [sflag:$0x2], $0x1, s11, s15, $0xb8;
	[tilespmem:$0x1E000] =	vst v63  }
0xd9: {  	_ = 	snop  }
0xda: {  	[spmem:s3] =	stream.indirect.scatter.add.f32 [tilespmem:s13], [sflag:$0x2], $0x1, s11, s15, $0xb8;
	[tilespmem:$0x1E000] =	vst v63  }
0xdb: {  	_ = 	snop  }
0xdc: {  	[spmem:s4] =	stream.indirect.scatter.add.f32 [tilespmem:s14], [sflag:$0x2], $0x1, s11, s15, $0xb8;
	[tilespmem:$0x1E000] =	vst v63  }
0xdd: {  	_ =	swait.ge [sflag:s16], $0x2000  }
0xde: {  	[sflag:s16] =	ssyncset.done $0x0  }
0xdf: {  	[sflag:s16] =	ssyncadd.s32 $0xFFFFE000  }
0xe0: {  	_ =	swait.ge [sflag:s16], $0x2000  }
0xe1: {  	[sflag:s16] =	ssyncset.done $0x0  }
0xe2: {  	[sflag:s16] =	ssyncadd.s32 $0xFFFFE000  }
0xe3: {  	_ =	swait.ge [sflag:s16], $0x2000  }
0xe4: {  	[sflag:s16] =	ssyncset.done $0x0  }
0xe5: {  	s23 =	stileid.u32;
	[sflag:s16] =	ssyncadd.s32 $0xFFFFE000  }
0xe6: {  	s18 =	sshll.u32 s23, $0x6;
	[bflag:$0x0] =	sbarrier.arrive $0xFFFF  }
0xe7: {  	s18 =	sor.u32 $0x1C01, s18;
	s24 =	sshrl.u32 s25, $0x3;
	s23 =	rddreg [dreg:$0x6]  }
0xe8: {  	[hbm:s23], [sflag:s18] =	dma.local [spmem:s24], $0xE00  }
0xe9: {  	s29 =	sshrl.u32 s26, $0x3;
	s23 =	rddreg [dreg:$0x7]  }
0xea: {  	[hbm:s23], [sflag:s18] =	dma.local [spmem:s29], $0xE00  }
0xeb: {  	s24 =	sshrl.u32 s28, $0x3;
	s23 =	rddreg [dreg:$0x8]  }
0xec: {  	[hbm:s23], [sflag:s18] =	dma.local [spmem:s24], $0xE00  }
0xed: {  	_ =	swait.ge [sflag:s8], $0xE00  }
0xee: {  	[sflag:s8] =	ssyncset.done $0x0  }
0xef: {  	[sflag:s8] =	ssyncadd.s32 $0xFFFFF200  }
0xf0: {  	_ =	swait.ge [sflag:s8], $0xE00  }
0xf1: {  	[sflag:s8] =	ssyncset.done $0x0  }
0xf2: {  	[sflag:s8] =	ssyncadd.s32 $0xFFFFF200  }
0xf3: {  	_ =	swait.ge [sflag:s8], $0xE00  }
0xf4: {  	s17 =	sadd.s32 $0x1, s17;
	s29 =	rddreg [dreg:$0x9]  }
0xf5: {  	p0 =	sne.s32 s17, s29  }
.Ltmp2:
0xf6: {  	_ = 	snop;
	(pc) =	sbr.rel @p0 .LBB2_1-.Ltmp2, $3  }
0xf7: {  	_ =	sdelay $0x1  }
0xf8: {  	[sflag:s8] =	ssyncset.done $0x0  }
0xf9: {  	[sflag:s8] =	ssyncadd.s32 $0xFFFFF200  }
0xfa: {  	_ =	sfence.sel $0x180000  }
0xfb: {  	[bflag:$0x0] =	sbarrier.arrive $0xFFFF  }
0xfc: {  	_ =	strace $0x90000047  }
0xfd: {  	s0 =	stileid.u32;
	[bflag:$0x2] =	sbarrier.arrive $0xFFFF  }
0xfe: {  	p0 =	sne.s32 s0, $0x0;
	s0 =	rddreg [dreg:$0x5]  }
0xff: {  	s0 =	sadd.s32 @!p0 $0x100000, s0  }
0x100: {  	[sflag:s0] =	ssyncadd.tile.s32 @!p0 $0x1;
	_ =	shalt  }
.Lfunc_end2:
_tile_overlayer_lowered:
.L_overlay_start_2:
0x101: {  	(tag) =	ssettag $0x2  }
0x102: {  	s0 =	rddreg [dreg:$0x0];
	s2 =	stileid.u32  }
0x103: {  	s1 =	rddreg [dreg:$0x1];
	p0 =	sne.s32 s2, $0x0  }
0x104: {  	s3 =	rddreg [dreg:$0x2];
	[bflag:$0x3] =	sbarrier.arrive $0xFFFF;
	s2 =	simm.s32 @!p0 $0x1C03  }
0x105: {  	[timem:s3], [sflag:s2] =	dma.local @!p0 [hbm:s0], s1  }
0x106: {  	s0 =	simm.s32 @!p0 $0x3  }
0x107: {  	_ =	swait.ge @!p0 [sflag:s0], s1  }
0x108: {  	s1 =	ssub.s32 @!p0 $0x0, s1;
	[sflag:s0] =	ssyncset.done @!p0 $0x0  }
0x109: {  	[sflag:s0] =	ssyncadd.s32 @!p0 s1  }
0x10a: {  	[bflag:$0x3] =	sbarrier.arrive $0xFFFF  }
0x10b: {  	_ =	shalt  }

// kernel: kernel.7.cloned.1.call-start
scs
__scs_entry_jumppad:
0x0: {  	(pc) =	sbr.rel $0x88, $3  }
0x1: {  	(tag) =	ssettag $0x0;
	lr =	simm.s32 $0x1  }
0x2: {  	[smem:$0x3F9E] =	sst lr;
	_ =	strace $0xD0000000  }
0x3: {  	_ = 	snop  }
0x4: {  	_ = 	snop  }
0x5: {  	_ = 	snop  }
0x6: {  	_ = 	snop  }
0x7: {  	_ = 	snop  }
__scs_overlays_trampoline_lowered:
0x8: {  	[smem:$0x3FAD] =	sst s0  }
0x9: {  	[smem:$0x3FAE] =	sst s1  }
0xa: {  	[smem:$0x3FAF] =	sst s2  }
0xb: {  	[smem:$0x3FB0] =	sst s3  }
0xc: {  	[smem:$0x3FB1] =	sst s4  }
0xd: {  	[smem:$0x3FB2] =	sst s5  }
0xe: {  	[smem:$0x3FB3] =	sst s6  }
0xf: {  	[smem:$0x3FB4] =	sst s7  }
0x10: {  	[smem:$0x3FB5] =	sst s8  }
0x11: {  	[smem:$0x3FB6] =	sst s9;
	s0 =	simm.s32 @!p0 $0x0  }
0x12: {  	s1 =	sld [smem:$0x3F9C];
	s0 =	simm.s32 @p0 $0x1  }
0x13: {  	[smem:$0x3FB7] =	sst s0;
	s0 =	simm.s32 @!p1 $0x0  }
0x14: {  	s2 =	sld [smem:$0x3F9B];
	s0 =	simm.s32 @p1 $0x1  }
0x15: {  	[smem:$0x3FB8] =	sst s0;
	s0 =	simm.s32 @!p2 $0x0  }
0x16: {  	s3 =	sld [smem:$0x3FDB];
	s0 =	simm.s32 @p2 $0x1  }
0x17: {  	s4 =	simm.s32 $0x1BF5;
	[smem:$0x3FBA] =	sst s0  }
0x18: {  	s0 =	sld [smem:$0x3F9D];
	_ =	swait.ge [sflag:s4], $0x0  }
0x19: {  	s7 =	sld [smem:$0x3F9E]  }
0x1a: {  	s8 =	sadd.s32 $0xFFFFE003, lr  }
0x1b: {  	s9 =	sadd.s32 $0xFFFFFEF7, lr;
	s5 =	simm.s32 $0xFFFFFFFF;
	p2 =	slt.u32 s8, $0xFFFFF086  }
0x1c: {  	p1 =	slt.u32 s9, $0xF7A;
	s5 =	simm.s32 @!p2 $0x0  }
0x1d: {  	s5 =	simm.s32 @p1 $0x1;
	p0 =	seq.s32 s7, s2  }
0x1e: {  	s7 =	smul.u32 @!p0 $0xF7A, s2;
	p2 =	seq.s32 @!p0 s5, $0x0  }
0x1f: {  	s9 =	smul.u32 $0xF7A, s1;
	s8 =	simm.s32 @!p0 $0x1BF5;
	p2 =	por !p2, p0  }
0x20: {  	[sflag:s8] =	ssyncset.s32 @!p0 $0xFFFFF086;
	s6 =	sadd.s32 @!p0 s3, s7;
	s7 =	simm.s32 @!p0 $0x108  }
0x21: {  	s3 =	sadd.s32 s3, s9;
	s6 =	sadd.s32 @!p0 $0x88, s6;
	s7 =	simm.s32 @p2 $0x1082  }
0x22: {  	[simem:s7], [sflag:s8] =	dma.local @!p0 [hbm:s6], $0xF7A  }
0x23: {  	s9 =	sor.u32 $0xD0000000, s2;
	s6 =	simm.s32 $0x108;
	_ =	swait.ge @!p0 [sflag:s8], $0x0  }
0x24: {  	s3 =	sadd.s32 $0x88, s3;
	s6 =	simm.s32 @!p1 $0x1082;
	[sflag:s4] =	ssyncset.s32 $0xFFFFF086  }
0x25: {  	[simem:s6], [sflag:s4] =	dma.local [hbm:s3], $0xF7A  }
0x26: {  	[smem:$0x3F9E] =	sst s1;
	(tag) =	ssettag s2;
	_ =	strace s9  }
0x27: {  	s1 =	sld [smem:$0x3FAE]  }
0x28: {  	s2 =	sld [smem:$0x3FAF]  }
0x29: {  	s4 =	sld [smem:$0x3FB1]  }
0x2a: {  	p0 =	seq.s32 s5, $0x0;
	s5 =	sld [smem:$0x3FB2]  }
0x2b: {  	s6 =	sld [smem:$0x3FB3]  }
0x2c: {  	s7 =	sld [smem:$0x3FB4]  }
0x2d: {  	s3 =	simm.s32 $0x108;
	s8 =	sld [smem:$0x3FB5]  }
0x2e: {  	s3 =	simm.s32 @!p0 $0x1082;
	s9 =	sld [smem:$0x3FB6]  }
0x2f: {  	lr =	sadd.s32 s0, s3;
	s0 =	sld [smem:$0x3FAD]  }
0x30: {  	s3 =	sld [smem:$0x3FB0]  }
0x31: {  	[smem:$0x3FB9] =	sst s10  }
0x32: {  	s10 =	sld [smem:$0x3FB7];
	_ =	sdelay $0x3  }
0x33: {  	p0 =	seq.s32 s10, $0x1;
	s10 =	sld [smem:$0x3FB9];
	_ =	sdelay $0x3  }
0x34: {  	[smem:$0x3FB9] =	sst s10  }
0x35: {  	s10 =	sld [smem:$0x3FB8];
	_ =	sdelay $0x3  }
0x36: {  	p1 =	seq.s32 s10, $0x1;
	s10 =	sld [smem:$0x3FB9];
	_ =	sdelay $0x3  }
0x37: {  	[smem:$0x3FB9] =	sst s10  }
0x38: {  	s10 =	sld [smem:$0x3FBA]  }
0x39: {  	_ = 	snop;
	(pc) =	sbr.ind lr, $3  }
0x3a: {  	_ = 	snop  }
0x3b: {  	_ = 	snop  }
0x3c: {  	p2 =	seq.s32 s10, $0x1;
	s10 =	sld [smem:$0x3FB9]  }
0x3d: {  	_ =	shalt  }
0x3e: {  	_ =	shalt  }
0x3f: {  	_ =	shalt  }
0x40: {  	_ =	shalt  }
0x41: {  	_ =	shalt  }
0x42: {  	_ =	shalt  }
0x43: {  	_ =	shalt  }
0x44: {  	_ =	shalt  }
0x45: {  	_ =	shalt  }
0x46: {  	_ =	shalt  }
0x47: {  	_ =	shalt  }
0x48: {  	_ =	shalt  }
0x49: {  	_ =	shalt  }
0x4a: {  	_ =	shalt  }
0x4b: {  	_ =	shalt  }
0x4c: {  	_ =	shalt  }
0x4d: {  	_ =	shalt  }
0x4e: {  	_ =	shalt  }
0x4f: {  	_ =	shalt  }
0x50: {  	_ =	shalt  }
0x51: {  	_ =	shalt  }
0x52: {  	_ =	shalt  }
0x53: {  	_ =	shalt  }
0x54: {  	_ =	shalt  }
0x55: {  	_ =	shalt  }
0x56: {  	_ =	shalt  }
0x57: {  	_ =	shalt  }
0x58: {  	_ =	shalt  }
0x59: {  	_ =	shalt  }
0x5a: {  	_ =	shalt  }
0x5b: {  	_ =	shalt  }
0x5c: {  	_ =	shalt  }
0x5d: {  	_ =	shalt  }
0x5e: {  	_ =	shalt  }
0x5f: {  	_ =	shalt  }
0x60: {  	_ =	shalt  }
0x61: {  	_ =	shalt  }
0x62: {  	_ =	shalt  }
0x63: {  	_ =	shalt  }
0x64: {  	_ =	shalt  }
0x65: {  	_ =	shalt  }
0x66: {  	_ =	shalt  }
0x67: {  	_ =	shalt  }
0x68: {  	_ =	shalt  }
0x69: {  	_ =	shalt  }
0x6a: {  	_ =	shalt  }
0x6b: {  	_ =	shalt  }
0x6c: {  	_ =	shalt  }
0x6d: {  	_ =	shalt  }
0x6e: {  	_ =	shalt  }
0x6f: {  	_ =	shalt  }
0x70: {  	_ =	shalt  }
0x71: {  	_ =	shalt  }
0x72: {  	_ =	shalt  }
0x73: {  	_ =	shalt  }
0x74: {  	_ =	shalt  }
0x75: {  	_ =	shalt  }
0x76: {  	_ =	shalt  }
0x77: {  	_ =	shalt  }
0x78: {  	_ =	shalt  }
0x79: {  	_ =	shalt  }
0x7a: {  	_ =	shalt  }
0x7b: {  	_ =	shalt  }
0x7c: {  	_ =	shalt  }
0x7d: {  	_ =	shalt  }
0x7e: {  	_ =	shalt  }
0x7f: {  	_ =	shalt  }
0x80: {  	_ =	shalt  }
0x81: {  	_ =	shalt  }
0x82: {  	_ =	shalt  }
0x83: {  	_ =	shalt  }
0x84: {  	_ =	shalt  }
0x85: {  	_ =	shalt  }
0x86: {  	_ =	shalt  }
0x87: {  	_ =	shalt  }
.Lfunc_end0:
.L_simem_size_0:
called_computation.1_lowered:
.L_overlay_start_0:
0x88: {  	s2 =	sld [smem:$0x3FD9]  }
0x89: {  	s3 =	sld [smem:$0x3FFE];
	_ =	sdelay $0x1  }
0x8a: {  	s1 =	srdreg.scid  }
0x8b: {  	s0 =	sand.u32 $0x1, s1  }
0x8c: {  	s16 =	sshll.u32 s0, $0xA;
	s2 =	sadd.s32 s3, s2  }
0x8d: {  	s2 =	sadd.s32 s2, s16  }
0x8e: {  	[smem:$0x3FC5] =	sst s2  }
0x8f: {  	_ = 	snop  }
0x90: {  	(tm) =	ssettm $0x1  }
0x91: {  	s17 =	sld [smem:$0x3FFB];
	_ =	sdelay $0x3  }
0x92: {  	_ =	strace s17  }
0x93: {  	s2 =	sld [smem:$0x3FFC];
	_ =	sdelay $0x3  }
0x94: {  	_ =	strace s2  }
0x95: {  	s2 =	sld [smem:$0x3FFD];
	_ =	sdelay $0x3  }
0x96: {  	_ =	strace s2  }
0x97: {  	_ =	strace $0x8FFFFFFF  }
0x98: {  	s18 =	sld [smem:$0x3FDB];
	_ =	sdelay $0x1  }
0x99: {  	s19 =	simm.s32 $_scs_section_size  }
0x9a: {  	s4 =	simm.s32 $_size__tile_overlayer_lowered;
	s5 =	simm.s32 $_tile_overlayer_lowered  }
0x9b: {  	s22 =	simm.s32 $0x1BFF;
	s21 =	sshll.u32 s5, $0x1;
	s2 =	sadd.s32 s19, s18  }
0x9c: {  	s6 =	simm.s32 $0x0;
	s20 =	sshll.u32 s4, $0x1;
	s4 =	sadd.s32 s21, s2  }
0x9d: {  	[timem:s6], [sflag:s22] =	dma.local [hbm:s4], s20  }
0x9e: {  	_ =	swait.ge [sflag:s22], s20  }
0x9f: {  	s3 =	ssub.s32 $0x0, s20;
	[sflag:s22] =	ssyncset.done $0x0  }
0xa0: {  	[sflag:s22] =	ssyncadd.s32 s3;
	_ =	sdelay $0x1  }
0xa1: {  	s23 =	simm.s32 $0x1B8B  }
0xa2: {  	_ =	swait.ge [sflag:s23], $0x1  }
0xa3: {  	[sflag:s23] =	ssyncset.done $0x0  }
0xa4: {  	s25 =	simm.s32 $0x1B8E;
	s24 =	sld [smem:$0x3FFE];
	[sflag:s23] =	ssyncadd.s32 $0xFFFFFFFF  }
0xa5: {  	s26 =	simm.s32 $execute0_lowered;
	[smem:$0x3FD2] =	sst s25  }
0xa6: {  	s4 =	sshll.u32 s26, $0x1;
	_ =	strace $0x80000049;
	[dreg:$0x1] =	wrdreg $0xFFFFFFFF  }
0xa7: {  	s28 =	simm.s32 $_size_execute0_lowered;
	s2 =	sadd.s32 s2, s4;
	[dreg:$0x0] =	wrdreg $0x0  }
0xa8: {  	s4 =	sshll.u32 s28, $0x1;
	[dreg:$0x2] =	wrdreg s2  }
0xa9: {  	[dreg:$0x3] =	wrdreg s4  }
0xaa: {  	[dreg:$0x4] =	wrdreg $0xC0  }
0xab: {  	_ =	task [dreg:s6], $0x5FFFF  }
0xac: {  	[dreg:$0x1] =	wrdreg $0xFFFFFFFF  }
0xad: {  	[dreg:$0x0] =	wrdreg $0x60  }
0xae: {  	[dreg:$0x2] =	wrdreg s24  }
0xaf: {  	[dreg:$0x3] =	wrdreg $0x0  }
0xb0: {  	[dreg:$0x4] =	wrdreg $0x70000  }
0xb1: {  	[dreg:$0x5] =	wrdreg $0xE0000  }
0xb2: {  	[dreg:$0x6] =	wrdreg $0x9  }
0xb3: {  	_ =	task.clear_ibuf [dreg:s6], $0x7FFFF;
	_ =	strace $0x90000049  }
0xb4: {  	s29 =	simm.s32 $0x9;
	_ =	strace $0x8000004B  }
0xb5: {  	_ =	swait.ge [sflag:s29], $0x1  }
0xb6: {  	[sflag:s29] =	ssyncadd.s32 $0xFFFFFFFF  }
0xb7: {  	_ =	strace $0x9000004B  }
0xb8: {  	_ =	sfence  }
0xb9: {  	s30 =	sld [smem:$0x0];
	_ =	sdelay $0x2  }
0xba: {  	s31 =	sshll.u32 s1, $0xD;
	s1 =	sshrl.u32 s1, $0x2  }
0xbb: {  	s3 =	sand.u32 $0x4000, s31;
	s1 =	sadd.s32 s1, s30  }
0xbc: {  	s0 =	sor.u32 s3, s0;
	s1 =	sshll.u32 s1, $0x11  }
0xbd: {  	s0 =	sor.u32 s1, s0  }
0xbe: {  	s0 =	sadd.s32 $0x8F2B, s0  }
0xbf: {  	[sflag:s0] =	ssyncadd.remote.s32 $0x1  }
0xc0: {  	_ =	sfence.sel $0xFFFF  }
0xc1: {  	[dreg:$0x0] =	wrdreg $0xFFFFFFFF;
	(pc) =	sbr.abs _section_cstart, $3  }
0xc2: {  	[dreg:$0x1] =	wrdreg $0xFFFFFFFF  }
0xc3: {  	_ =	task.clear_ibuf [dreg:s6], $0x2FFFF;
	_ =	strace $0x9FFFFFFF  }
0xc4: {  	(tm) =	ssettm $0x7FFFFFFF  }
0xc5: {  	_ =	shalt  }
tec
execute0_lowered:
.L_overlay_start_1:
0x0: {  	(tag) =	ssettag $0x1  }
0x1: {  	s0 =	rddreg [dreg:$0x0]  }
0x2: {  	s1 =	rddreg [dreg:$0x1]  }
0x3: {  	s2 =	rddreg [dreg:$0x2]  }
0x4: {  	s3 =	rddreg [dreg:$0x3]  }
0x5: {  	s4 =	srdreg.scid;
	s5 =	simm.s32 $0x0;
	s13 =	simm.s32 $0x1  }
0x6: {  	s15 =	simm.s32 $0x15000;
	s16 =	simm.s32 $0x16000;
	s17 =	simm.s32 $0x17000  }
0x7: {  	s18 =	simm.s32 $0x3;
	s19 =	simm.s32 $0x18000;
	s20 =	simm.s32 $0x1000  }
0x8: {  	s21 =	simm.s32 $0x19000;
	s22 =	simm.s32 $0x1A000;
	s23 =	simm.s32 $0x1B000  }
0x9: {  	s24 =	simm.s32 $0x2;
	s25 =	simm.s32 $0x0;
	s8 =	sand.u32 $0x1, s4  }
0xa: {  	[smem:$0x7FF] =	sst s5;
	s4 =	stileid.u32;
	s6 =	sshll.u32 s8, $0x4  }
0xb: {  	s7 =	sadd.s32 $0x94600, s0;
	s10 =	sand.u32 $0x3, s4;
	s9 =	sor.u32 s4, s6  }
0xc: {  	_ =	strace $0x8000004A;
	p1 =	sne.s32 s10, $0x0;
	p0 =	seq.s32 s9, $0x0  }
0xd: {  	s11 =	sshll.u32 s8, $0x14;
	s12 =	sshll.u32 s4, $0x10;
	p0 =	por !p1, !p0  }
0xe: {  	s8 =	ssub.s32 $0x2, s8;
	s6 =	sadd.s32 $0x40600, s0;
	p0 =	por !p0, !p0  }
0xf: {  	s11 =	sor.u32 s12, s11;
	s9 =	sshrl.u32 s9, $0x2;
	s13 =	simm.s32 @!p0 $0x0  }
0x10: {  	s26 =	sshrl.u32 s8, $0x1;
	s10 =	sshll.u32 s10, $0x10;
	s9 =	ssub.s32 s9, s13  }
0x11: {  	s11 =	sshrl.u32 s11, $0x3;
	s29 =	ssub.s32 s8, s26;
	s28 =	smul.u32 $0xC0000, s9  }
0x12: {  	s8 =	smul.u32 $0x7000, s4;
	s14 =	sadd.s32 s11, s0;
	s0 =	sadd.s32 $0xA2600, s0  }
0x13: {  	s14 =	sadd.s32 $0x600, s14;
	s9 =	smax.u32 s29, $0x1;
	s30 =	sor.u32 s10, s28  }
0x14: {  	s10 =	simm.s32 $0x1;
	s12 =	sadd.s32 $0x80000, s30;
	s31 =	sadd.s32 $0x40000, s30  }
0x15: {  	s11 =	sshrl.u32 s30, $0x3;
	s12 =	sshrl.u32 s12, $0x3;
	s13 =	sshrl.u32 s31, $0x3  }
0x16: {  	s11 =	sadd.s32 s11, s0;
	s12 =	sadd.s32 s12, s0;
	s13 =	sadd.s32 s13, s0  }
.LBB2_1:
0x17: {  	s28 =	simm.s32 $0x0  }
.LBB2_2:
0x18: {  	s0 =	sshll.u32 s28, $0xC  }
0x19: {  	s26 =	sadd.s32 s8, s0  }
0x1a: {  	s0 =	sshrl.u32 s26, $0x3  }
0x1b: {  	s30 =	simm.s32 $0x0;
	s29 =	sadd.s32 s6, s0  }
0x1c: {  	[tilespmem:s15], [sflag:$0x1] =	stream.linear.gather [hbm4b:s29+s30], $0x1000, $0x38;
	[tilespmem:$0x1C000] =	vst v63  }
0x1d: {  	s29 =	sadd.s32 $0x2A000, s29  }
0x1e: {  	[tilespmem:s16], [sflag:$0x1] =	stream.linear.gather [hbm4b:s29+s30], $0x1000, $0x38;
	[tilespmem:$0x1C000] =	vst v63  }
0x1f: {  	s0 =	sadd.s32 s7, s0  }
0x20: {  	[tilespmem:s17], [sflag:$0x1] =	stream.linear.gather [hbm4b:s0+s30], $0x1000, $0x38;
	[tilespmem:$0x1C000] =	vst v63  }
0x21: {  	_ =	swait.ge [sflag:s10], $0x1000  }
0x22: {  	[sflag:s10] =	ssyncset.done $0x0  }
0x23: {  	[sflag:s10] =	ssyncadd.s32 $0xFFFFF000  }
0x24: {  	_ =	swait.ge [sflag:s10], $0x1000  }
0x25: {  	[sflag:s10] =	ssyncset.done $0x0  }
0x26: {  	[sflag:s10] =	ssyncadd.s32 $0xFFFFF000  }
0x27: {  	_ =	swait.ge [sflag:s10], $0x1000  }
0x28: {  	[sflag:s10] =	ssyncset.done $0x0  }
0x29: {  	s29 =	simm.s32 $0x0;
	[sflag:s10] =	ssyncadd.s32 $0xFFFFF000  }
0x2a: {  	v1 =	vld [tilespmem:s29+$0x17000];
	_ =	sdelay $0x4  }
0x2b: {  	(erf) = vrcp.f32 v1;
	_ =	sdelay $0x1  }
0x2c: {  	v0 =	vld [tilespmem:s29+$0x16000]  }
0x2d: {  	v1 =	vld [tilespmem:s29+$0x15000]  }
0x2e: {  	s31 =	simm.s32 $0x80;
	s30 =	simm.s32 $0x10  }
.LBB2_3:
0x2f: {  	p0 =	sne.s32 s31, $0x3FC0;
	v2 =	vld [tilespmem:s30+$0x17000];
	_ =	sdelay $0x2  }
0x30: {  	v0 =	vadd.f32 v0, v1  }
0x31: {  	v1 =	vpop (erf)  }
.Ltmp0:
0x32: {  	(erf) = vrcp.f32 v2;
	v1 =	vmul.f32 v1, v0;
	(pc) =	sbr.rel @p0 .LBB2_3-.Ltmp0, $4  }
0x33: {  	_ = 	snop  }
0x34: {  	v0 =	vld [tilespmem:s30+$0x16000];
	[tilespmem:s29+$0x15000] =	vst v1;
	s29 =	smov.u32 s30  }
0x35: {  	v1 =	vld [tilespmem:s29+$0x15000]  }
0x36: {  	s30 =	sshra.s32 s31, $0x2;
	s31 =	sadd.s32 $0x40, s31  }
0x37: {  	v2 =	vld [tilespmem:s30+$0x17000];
	_ =	sdelay $0x2  }
0x38: {  	v0 =	vadd.f32 v0, v1  }
0x39: {  	v61 =	vpop (erf)  }
0x3a: {  	(erf) = vrcp.f32 v2;
	v0 =	vmul.f32 v61, v0;
	_ =	sdelay $0x1  }
0x3b: {  	v62 =	vld [tilespmem:s30+$0x16000];
	[tilespmem:s29+$0x15000] =	vst v0  }
0x3c: {  	v0 =	vld [tilespmem:s30+$0x15000];
	_ =	sdelay $0x4  }
0x3d: {  	v0 =	vadd.f32 v62, v0  }
0x3e: {  	v63 =	vpop (erf)  }
0x3f: {  	s28 =	sadd.s32 $0x1, s28;
	v0 =	vmul.f32 v63, v0  }
0x40: {  	p0 =	sne.s32 s28, $0x7  }
.Ltmp1:
0x41: {  	s0 =	sadd.s32 s26, s1;
	[tilespmem:s30+$0x15000] =	vst v0;
	(pc) =	sbr.rel @p0 .LBB2_2-.Ltmp1, $4  }
0x42: {  	[spmem:s0] =	stream.linear.scatter [tilespmem:s15], [sflag:$0x3], $0x1000, $0x38;
	[tilespmem:$0x1C000] =	vst v63  }
0x43: {  	_ =	swait.ge [sflag:s18], $0x1000  }
0x44: {  	[sflag:s18] =	ssyncset.done $0x0  }
0x45: {  	s26 =	simm.s32 $0x0;
	[sflag:s18] =	ssyncadd.s32 $0xFFFFF000  }
0x46: {  	s29 =	simm.s32 $0x0  }
.LBB2_6:
0x47: {  	s0 =	sshll.u32 s29, $0xC  }
0x48: {  	s28 =	sadd.s32 s8, s0  }
0x49: {  	s0 =	sshrl.u32 s28, $0x3  }
0x4a: {  	s30 =	sadd.s32 s6, s0  }
0x4b: {  	s31 =	sadd.s32 $0xE000, s30  }
0x4c: {  	[tilespmem:s15], [sflag:$0x1] =	stream.linear.gather [hbm4b:s31+s26], $0x1000, $0x38;
	[tilespmem:$0x1C000] =	vst v63  }
0x4d: {  	s30 =	sadd.s32 $0x38000, s30  }
0x4e: {  	[tilespmem:s16], [sflag:$0x1] =	stream.linear.gather [hbm4b:s30+s26], $0x1000, $0x38;
	[tilespmem:$0x1C000] =	vst v63  }
0x4f: {  	s0 =	sadd.s32 s7, s0  }
0x50: {  	[tilespmem:s17], [sflag:$0x1] =	stream.linear.gather [hbm4b:s0+s26], $0x1000, $0x38;
	[tilespmem:$0x1C000] =	vst v63  }
0x51: {  	_ =	swait.ge [sflag:s10], $0x1000  }
0x52: {  	[sflag:s10] =	ssyncset.done $0x0  }
0x53: {  	[sflag:s10] =	ssyncadd.s32 $0xFFFFF000  }
0x54: {  	_ =	swait.ge [sflag:s10], $0x1000  }
0x55: {  	[sflag:s10] =	ssyncset.done $0x0  }
0x56: {  	[sflag:s10] =	ssyncadd.s32 $0xFFFFF000  }
0x57: {  	_ =	swait.ge [sflag:s10], $0x1000  }
0x58: {  	[sflag:s10] =	ssyncset.done $0x0  }
0x59: {  	s30 =	simm.s32 $0x0;
	[sflag:s10] =	ssyncadd.s32 $0xFFFFF000  }
0x5a: {  	v1 =	vld [tilespmem:s30+$0x17000];
	_ =	sdelay $0x4  }
0x5b: {  	(erf) = vrcp.f32 v1;
	_ =	sdelay $0x1  }
0x5c: {  	v0 =	vld [tilespmem:s30+$0x16000]  }
0x5d: {  	v1 =	vld [tilespmem:s30+$0x15000]  }
0x5e: {  	s31 =	simm.s32 $0x10;
	s0 =	simm.s32 $0x80  }
.LBB2_7:
0x5f: {  	p0 =	sne.s32 s0, $0x3FC0;
	v2 =	vld [tilespmem:s31+$0x17000];
	_ =	sdelay $0x2  }
0x60: {  	v0 =	vadd.f32 v0, v1  }
0x61: {  	v1 =	vpop (erf)  }
.Ltmp2:
0x62: {  	(erf) = vrcp.f32 v2;
	v1 =	vmul.f32 v1, v0;
	(pc) =	sbr.rel @p0 .LBB2_7-.Ltmp2, $4  }
0x63: {  	_ = 	snop  }
0x64: {  	v0 =	vld [tilespmem:s31+$0x16000];
	[tilespmem:s30+$0x15000] =	vst v1;
	s30 =	smov.u32 s31  }
0x65: {  	v1 =	vld [tilespmem:s30+$0x15000]  }
0x66: {  	s31 =	sshra.s32 s0, $0x2;
	s0 =	sadd.s32 $0x40, s0  }
0x67: {  	v2 =	vld [tilespmem:s31+$0x17000];
	_ =	sdelay $0x2  }
0x68: {  	v0 =	vadd.f32 v0, v1  }
0x69: {  	v61 =	vpop (erf)  }
0x6a: {  	(erf) = vrcp.f32 v2;
	v0 =	vmul.f32 v61, v0;
	_ =	sdelay $0x1  }
0x6b: {  	v62 =	vld [tilespmem:s31+$0x16000];
	[tilespmem:s30+$0x15000] =	vst v0  }
0x6c: {  	v0 =	vld [tilespmem:s31+$0x15000];
	_ =	sdelay $0x4  }
0x6d: {  	v0 =	vadd.f32 v62, v0  }
0x6e: {  	v63 =	vpop (erf)  }
0x6f: {  	s29 =	sadd.s32 $0x1, s29;
	v0 =	vmul.f32 v63, v0  }
0x70: {  	p0 =	sne.s32 s29, $0x7  }
.Ltmp3:
0x71: {  	s0 =	sadd.s32 s28, s2;
	[tilespmem:s31+$0x15000] =	vst v0;
	(pc) =	sbr.rel @p0 .LBB2_6-.Ltmp3, $4  }
0x72: {  	[spmem:s0] =	stream.linear.scatter [tilespmem:s15], [sflag:$0x3], $0x1000, $0x38;
	[tilespmem:$0x1C000] =	vst v63  }
0x73: {  	_ =	swait.ge [sflag:s18], $0x1000  }
0x74: {  	[sflag:s18] =	ssyncset.done $0x0  }
0x75: {  	s28 =	simm.s32 $0x0;
	[sflag:s18] =	ssyncadd.s32 $0xFFFFF000  }
0x76: {  	s26 =	simm.s32 $0x0  }
.LBB2_10:
0x77: {  	s0 =	sshll.u32 s26, $0xC  }
0x78: {  	s29 =	sadd.s32 s8, s0  }
0x79: {  	s0 =	sshrl.u32 s29, $0x3  }
0x7a: {  	s30 =	sadd.s32 s6, s0  }
0x7b: {  	s31 =	sadd.s32 $0x1C000, s30  }
0x7c: {  	[tilespmem:s15], [sflag:$0x1] =	stream.linear.gather [hbm4b:s31+s28], $0x1000, $0x38;
	[tilespmem:$0x1C000] =	vst v63  }
0x7d: {  	s30 =	sadd.s32 $0x46000, s30  }
0x7e: {  	[tilespmem:s16], [sflag:$0x1] =	stream.linear.gather [hbm4b:s30+s28], $0x1000, $0x38;
	[tilespmem:$0x1C000] =	vst v63  }
0x7f: {  	s0 =	sadd.s32 s7, s0  }
0x80: {  	[tilespmem:s17], [sflag:$0x1] =	stream.linear.gather [hbm4b:s0+s28], $0x1000, $0x38;
	[tilespmem:$0x1C000] =	vst v63  }
0x81: {  	_ =	swait.ge [sflag:s10], $0x1000  }
0x82: {  	[sflag:s10] =	ssyncset.done $0x0  }
0x83: {  	[sflag:s10] =	ssyncadd.s32 $0xFFFFF000  }
0x84: {  	_ =	swait.ge [sflag:s10], $0x1000  }
0x85: {  	[sflag:s10] =	ssyncset.done $0x0  }
0x86: {  	[sflag:s10] =	ssyncadd.s32 $0xFFFFF000  }
0x87: {  	_ =	swait.ge [sflag:s10], $0x1000  }
0x88: {  	[sflag:s10] =	ssyncset.done $0x0  }
0x89: {  	s30 =	simm.s32 $0x0;
	[sflag:s10] =	ssyncadd.s32 $0xFFFFF000  }
0x8a: {  	v1 =	vld [tilespmem:s30+$0x17000];
	_ =	sdelay $0x4  }
0x8b: {  	(erf) = vrcp.f32 v1;
	_ =	sdelay $0x1  }
0x8c: {  	v0 =	vld [tilespmem:s30+$0x16000]  }
0x8d: {  	v1 =	vld [tilespmem:s30+$0x15000]  }
0x8e: {  	s31 =	simm.s32 $0x10;
	s0 =	simm.s32 $0x80  }
.LBB2_11:
0x8f: {  	p0 =	sne.s32 s0, $0x3FC0;
	v2 =	vld [tilespmem:s31+$0x17000];
	_ =	sdelay $0x2  }
0x90: {  	v0 =	vadd.f32 v0, v1  }
0x91: {  	v1 =	vpop (erf)  }
.Ltmp4:
0x92: {  	(erf) = vrcp.f32 v2;
	v1 =	vmul.f32 v1, v0;
	(pc) =	sbr.rel @p0 .LBB2_11-.Ltmp4, $4  }
0x93: {  	_ = 	snop  }
0x94: {  	v0 =	vld [tilespmem:s31+$0x16000];
	[tilespmem:s30+$0x15000] =	vst v1;
	s30 =	smov.u32 s31  }
0x95: {  	v1 =	vld [tilespmem:s30+$0x15000]  }
0x96: {  	s31 =	sshra.s32 s0, $0x2;
	s0 =	sadd.s32 $0x40, s0  }
0x97: {  	v2 =	vld [tilespmem:s31+$0x17000];
	_ =	sdelay $0x2  }
0x98: {  	v0 =	vadd.f32 v0, v1  }
0x99: {  	v61 =	vpop (erf)  }
0x9a: {  	(erf) = vrcp.f32 v2;
	v0 =	vmul.f32 v61, v0;
	_ =	sdelay $0x1  }
0x9b: {  	v62 =	vld [tilespmem:s31+$0x16000];
	[tilespmem:s30+$0x15000] =	vst v0  }
0x9c: {  	v0 =	vld [tilespmem:s31+$0x15000];
	_ =	sdelay $0x4  }
0x9d: {  	v0 =	vadd.f32 v62, v0  }
0x9e: {  	v63 =	vpop (erf)  }
0x9f: {  	s26 =	sadd.s32 $0x1, s26;
	v0 =	vmul.f32 v63, v0  }
0xa0: {  	p0 =	sne.s32 s26, $0x7  }
.Ltmp5:
0xa1: {  	s0 =	sadd.s32 s29, s3;
	[tilespmem:s31+$0x15000] =	vst v0;
	(pc) =	sbr.rel @p0 .LBB2_10-.Ltmp5, $4  }
0xa2: {  	[spmem:s0] =	stream.linear.scatter [tilespmem:s15], [sflag:$0x3], $0x1000, $0x38;
	[tilespmem:$0x1C000] =	vst v63  }
0xa3: {  	_ =	swait.ge [sflag:s18], $0x1000  }
0xa4: {  	[sflag:s18] =	ssyncset.done $0x0  }
0xa5: {  	[sflag:s18] =	ssyncadd.s32 $0xFFFFF000  }
0xa6: {  	[bflag:$0x0] =	sbarrier.arrive $0xFFFF;
	s0 =	sadd.s32 $0x0, s14  }
0xa7: {  	[tilespmem:s19], [sflag:$0x3] =	stream.linear.gather [hbm4b:s0+s5], $0x1000, $0x38;
	[tilespmem:$0x1C000] =	vst v63  }
0xa8: {  	_ =	swait.ge [sflag:s18], $0x1000  }
0xa9: {  	[sflag:s18] =	ssyncset.done $0x0  }
0xaa: {  	[sflag:s18] =	ssyncadd.s32 $0xFFFFF000  }
0xab: {  	[tilespmem:s21], [sflag:$0x2] =	stream.indirect.gather [spmem:s1], $0x1, s19, s20, $0xb8;
	[tilespmem:$0x1C000] =	vst v63  }
0xac: {  	_ = 	snop  }
0xad: {  	[tilespmem:s22], [sflag:$0x2] =	stream.indirect.gather [spmem:s2], $0x1, s19, s20, $0xb8;
	[tilespmem:$0x1C000] =	vst v63  }
0xae: {  	_ = 	snop  }
0xaf: {  	[tilespmem:s23], [sflag:$0x2] =	stream.indirect.gather [spmem:s3], $0x1, s19, s20, $0xb8;
	[tilespmem:$0x1C000] =	vst v63  }
0xb0: {  	_ =	swait.ge [sflag:s24], $0x1000  }
0xb1: {  	[sflag:s24] =	ssyncset.done $0x0  }
0xb2: {  	[sflag:s24] =	ssyncadd.s32 $0xFFFFF000  }
0xb3: {  	_ =	swait.ge [sflag:s24], $0x1000  }
0xb4: {  	[sflag:s24] =	ssyncset.done $0x0  }
0xb5: {  	[sflag:s24] =	ssyncadd.s32 $0xFFFFF000  }
0xb6: {  	_ =	swait.ge [sflag:s24], $0x1000  }
0xb7: {  	[sflag:s24] =	ssyncset.done $0x0  }
0xb8: {  	s29 =	sadd.s32 $0x0, s11;
	[sflag:s24] =	ssyncadd.s32 $0xFFFFF000  }
0xb9: {  	[hbm4b:s29+s5] =	stream.linear.scatter [tilespmem:s21], [sflag:$0x1], $0x1000, $0x38;
	[tilespmem:$0x1C000] =	vst v63  }
0xba: {  	s30 =	sadd.s32 $0x0, s13  }
0xbb: {  	[hbm4b:s30+s5] =	stream.linear.scatter [tilespmem:s22], [sflag:$0x1], $0x1000, $0x38;
	[tilespmem:$0x1C000] =	vst v63  }
0xbc: {  	s31 =	sadd.s32 $0x0, s12  }
0xbd: {  	[hbm4b:s31+s5] =	stream.linear.scatter [tilespmem:s23], [sflag:$0x1], $0x1000, $0x38;
	[tilespmem:$0x1C000] =	vst v63  }
0xbe: {  	_ =	swait.ge [sflag:s10], $0x1000  }
0xbf: {  	[sflag:s10] =	ssyncset.done $0x0  }
0xc0: {  	[sflag:s10] =	ssyncadd.s32 $0xFFFFF000  }
0xc1: {  	_ =	swait.ge [sflag:s10], $0x1000  }
0xc2: {  	[sflag:s10] =	ssyncset.done $0x0  }
0xc3: {  	[sflag:s10] =	ssyncadd.s32 $0xFFFFF000  }
0xc4: {  	_ =	swait.ge [sflag:s10], $0x1000  }
0xc5: {  	s26 =	simm.s32 $0x200;
	s0 =	simm.s32 $0x400;
	[sflag:s10] =	ssyncset.done $0x0  }
.LBB2_14:
0xc6: {  	s29 =	sadd.s32 s26, s14  }
0xc7: {  	[sflag:s10] =	ssyncadd.s32 $0xFFFFF000;
	s30 =	smov.u32 s0;
	s28 =	sadd.s32 $0x200, s0  }
0xc8: {  	[tilespmem:s19], [sflag:$0x3] =	stream.linear.gather [hbm4b:s29+s5], $0x1000, $0x38;
	[tilespmem:$0x1C000] =	vst v63  }
0xc9: {  	p0 =	sne.s32 s0, $0x1E00;
	_ =	swait.ge [sflag:s18], $0x1000  }
0xca: {  	[sflag:s18] =	ssyncset.done $0x0  }
0xcb: {  	[sflag:s18] =	ssyncadd.s32 $0xFFFFF000  }
0xcc: {  	[tilespmem:s21], [sflag:$0x2] =	stream.indirect.gather [spmem:s1], $0x1, s19, s20, $0xb8;
	[tilespmem:$0x1C000] =	vst v63  }
0xcd: {  	_ = 	snop  }
0xce: {  	[tilespmem:s22], [sflag:$0x2] =	stream.indirect.gather [spmem:s2], $0x1, s19, s20, $0xb8;
	[tilespmem:$0x1C000] =	vst v63  }
0xcf: {  	_ = 	snop  }
0xd0: {  	[tilespmem:s23], [sflag:$0x2] =	stream.indirect.gather [spmem:s3], $0x1, s19, s20, $0xb8;
	[tilespmem:$0x1C000] =	vst v63  }
0xd1: {  	_ =	swait.ge [sflag:s24], $0x1000  }
0xd2: {  	[sflag:s24] =	ssyncset.done $0x0  }
0xd3: {  	[sflag:s24] =	ssyncadd.s32 $0xFFFFF000  }
0xd4: {  	_ =	swait.ge [sflag:s24], $0x1000  }
0xd5: {  	[sflag:s24] =	ssyncset.done $0x0  }
0xd6: {  	[sflag:s24] =	ssyncadd.s32 $0xFFFFF000  }
0xd7: {  	_ =	swait.ge [sflag:s24], $0x1000  }
0xd8: {  	[sflag:s24] =	ssyncset.done $0x0  }
0xd9: {  	s0 =	sadd.s32 s26, s11;
	[sflag:s24] =	ssyncadd.s32 $0xFFFFF000  }
0xda: {  	[hbm4b:s0+s5] =	stream.linear.scatter [tilespmem:s21], [sflag:$0x1], $0x1000, $0x38;
	[tilespmem:$0x1C000] =	vst v63  }
0xdb: {  	s0 =	sadd.s32 s26, s13  }
0xdc: {  	[hbm4b:s0+s5] =	stream.linear.scatter [tilespmem:s22], [sflag:$0x1], $0x1000, $0x38;
	[tilespmem:$0x1C000] =	vst v63  }
0xdd: {  	s0 =	sadd.s32 s26, s12;
	s26 =	smov.u32 s30  }
0xde: {  	[hbm4b:s0+s5] =	stream.linear.scatter [tilespmem:s23], [sflag:$0x1], $0x1000, $0x38;
	[tilespmem:$0x1C000] =	vst v63  }
0xdf: {  	_ =	swait.ge [sflag:s10], $0x1000  }
0xe0: {  	[sflag:s10] =	ssyncset.done $0x0  }
0xe1: {  	[sflag:s10] =	ssyncadd.s32 $0xFFFFF000  }
.Ltmp6:
0xe2: {  	_ =	swait.ge [sflag:s10], $0x1000;
	(pc) =	sbr.rel @p0 .LBB2_14-.Ltmp6, $4  }
0xe3: {  	[sflag:s10] =	ssyncset.done $0x0  }
0xe4: {  	[sflag:s10] =	ssyncadd.s32 $0xFFFFF000  }
0xe5: {  	_ =	swait.ge [sflag:s10], $0x1000  }
0xe6: {  	s0 =	smov.u32 s28;
	[sflag:s10] =	ssyncset.done $0x0  }
0xe7: {  	s0 =	sadd.s32 s26, s14;
	[sflag:s10] =	ssyncadd.s32 $0xFFFFF000  }
0xe8: {  	[tilespmem:s19], [sflag:$0x3] =	stream.linear.gather [hbm4b:s0+s5], $0x1000, $0x38;
	[tilespmem:$0x1C000] =	vst v63  }
0xe9: {  	_ =	swait.ge [sflag:s18], $0x1000  }
0xea: {  	[sflag:s18] =	ssyncset.done $0x0  }
0xeb: {  	[sflag:s18] =	ssyncadd.s32 $0xFFFFF000  }
0xec: {  	[tilespmem:s21], [sflag:$0x2] =	stream.indirect.gather [spmem:s1], $0x1, s19, s20, $0xb8;
	[tilespmem:$0x1C000] =	vst v63  }
0xed: {  	_ = 	snop  }
0xee: {  	[tilespmem:s22], [sflag:$0x2] =	stream.indirect.gather [spmem:s2], $0x1, s19, s20, $0xb8;
	[tilespmem:$0x1C000] =	vst v63  }
0xef: {  	_ = 	snop  }
0xf0: {  	[tilespmem:s23], [sflag:$0x2] =	stream.indirect.gather [spmem:s3], $0x1, s19, s20, $0xb8;
	[tilespmem:$0x1C000] =	vst v63  }
0xf1: {  	_ =	swait.ge [sflag:s24], $0x1000  }
0xf2: {  	[sflag:s24] =	ssyncset.done $0x0  }
0xf3: {  	[sflag:s24] =	ssyncadd.s32 $0xFFFFF000  }
0xf4: {  	_ =	swait.ge [sflag:s24], $0x1000  }
0xf5: {  	[sflag:s24] =	ssyncset.done $0x0  }
0xf6: {  	[sflag:s24] =	ssyncadd.s32 $0xFFFFF000  }
0xf7: {  	_ =	swait.ge [sflag:s24], $0x1000  }
0xf8: {  	[sflag:s24] =	ssyncset.done $0x0  }
0xf9: {  	s29 =	sadd.s32 s26, s11;
	[sflag:s24] =	ssyncadd.s32 $0xFFFFF000  }
0xfa: {  	[hbm4b:s29+s5] =	stream.linear.scatter [tilespmem:s21], [sflag:$0x1], $0x1000, $0x38;
	[tilespmem:$0x1C000] =	vst v63  }
0xfb: {  	s30 =	sadd.s32 s26, s13  }
0xfc: {  	[hbm4b:s30+s5] =	stream.linear.scatter [tilespmem:s22], [sflag:$0x1], $0x1000, $0x38;
	[tilespmem:$0x1C000] =	vst v63  }
0xfd: {  	s31 =	sadd.s32 s26, s12  }
0xfe: {  	[hbm4b:s31+s5] =	stream.linear.scatter [tilespmem:s23], [sflag:$0x1], $0x1000, $0x38;
	[tilespmem:$0x1C000] =	vst v63  }
0xff: {  	_ =	swait.ge [sflag:s10], $0x1000  }
0x100: {  	[sflag:s10] =	ssyncset.done $0x0  }
0x101: {  	s25 =	sadd.s32 $0x1, s25;
	[sflag:s10] =	ssyncadd.s32 $0xFFFFF000  }
0x102: {  	p0 =	sne.s32 s25, s9;
	_ =	swait.ge [sflag:s10], $0x1000  }
.Ltmp7:
0x103: {  	[sflag:s10] =	ssyncset.done $0x0;
	(pc) =	sbr.rel @p0 .LBB2_1-.Ltmp7, $4  }
0x104: {  	[sflag:s10] =	ssyncadd.s32 $0xFFFFF000  }
0x105: {  	_ =	swait.ge [sflag:s10], $0x1000  }
0x106: {  	[sflag:s10] =	ssyncset.done $0x0  }
0x107: {  	[sflag:s10] =	ssyncadd.s32 $0xFFFFF000  }
0x108: {  	_ =	sfence.sel $0x180000  }
0x109: {  	[bflag:$0x0] =	sbarrier.arrive $0xFFFF  }
0x10a: {  	_ =	strace $0x9000004A  }
0x10b: {  	[bflag:$0x2] =	sbarrier.arrive $0xFFFF  }
0x10c: {  	p0 =	sne.s32 s4, $0x0;
	s0 =	rddreg [dreg:$0x4]  }
0x10d: {  	s0 =	sadd.s32 @!p0 $0x100000, s0  }
0x10e: {  	[sflag:s0] =	ssyncadd.tile.s32 @!p0 $0x1;
	_ =	shalt  }
.Lfunc_end2:
_tile_overlayer_lowered:
.L_overlay_start_2:
0x10f: {  	(tag) =	ssettag $0x2  }
0x110: {  	s0 =	rddreg [dreg:$0x0];
	s2 =	stileid.u32  }
0x111: {  	s1 =	rddreg [dreg:$0x1];
	p0 =	sne.s32 s2, $0x0  }
0x112: {  	s3 =	rddreg [dreg:$0x2];
	[bflag:$0x3] =	sbarrier.arrive $0xFFFF;
	s2 =	simm.s32 @!p0 $0x1C03  }
0x113: {  	[timem:s3], [sflag:s2] =	dma.local @!p0 [hbm:s0], s1  }
0x114: {  	s0 =	simm.s32 @!p0 $0x3  }
0x115: {  	_ =	swait.ge @!p0 [sflag:s0], s1  }
0x116: {  	s1 =	ssub.s32 @!p0 $0x0, s1;
	[sflag:s0] =	ssyncset.done @!p0 $0x0  }
0x117: {  	[sflag:s0] =	ssyncadd.s32 @!p0 s1  }
0x118: {  	[bflag:$0x3] =	sbarrier.arrive $0xFFFF  }
0x119: {  	_ =	shalt  }

</sc_bundles>
